<compile_context>
chip_gen: v7x
topology: tpu7x:2x2x1
jax: 0.10.2.dev20260603
libtpu: 0.0.44.dev20260713+nightly
codegen_flags: <defaults>
</compile_context>

<pallas_src>
import jax
import jax.numpy as jnp
from jax import lax
from jax.experimental import pallas as pl
from jax.experimental.pallas import tpu as pltpu
from jax.experimental.pallas import tpu_sc as plsc

_N = 10000
_E = 80000
_D = 128
_R = 4
_NB = 4

_NC = 2
_NS = 16
_CHUNK = 64
_EDGES_PER_TILE = _E // _NS
_NCHUNK = 2 * (-(-_EDGES_PER_TILE // (2 * _CHUNK)))
_PAD_EDGES = _NCHUNK * _CHUNK
_STRIPE = 632
_ROWS = _NS * _STRIPE
_HALF = _ROWS // 2
_LANES = 16

_BLK = 2000


def _sc_body(feat_hbm, src_hbm, dst_hbm, zacc_hbm, zcnt_hbm,
             sums_hbm, cnts_hbm,
             acc_s, src_v, dst_v, rb0, rb1, cnt_v,
             gsem0, gsem1, ssem0, ssem1):
  c = lax.axis_index("c")
  s = lax.axis_index("s")
  ones16 = jnp.ones((_LANES,), jnp.float32)

  def _count_chunk(j, lo):
    for k in range(_CHUNK // _LANES):
      idx = dst_v[j, pl.ds(k * _LANES, _LANES)]
      mask = (idx >= lo) & (idx < lo + _HALF)
      safe = jnp.where(mask, idx - lo, 0)
      plsc.addupdate_scatter(cnt_v, [safe], ones16, mask=mask)

  def _gather(j, rb, sem):
    return pltpu.async_copy(feat_hbm.at[src_v.at[j]], rb, sem)

  def _gwait(j, rb, sem):
    pltpu.make_async_copy(feat_hbm.at[src_v.at[j]], rb, sem).wait()

  def _scatter(j, rb, sem):
    return pltpu.async_copy(rb, acc_s.at[dst_v.at[j]], sem, add=True)

  def _swait(j, rb, sem):
    pltpu.make_async_copy(rb, acc_s.at[dst_v.at[j]], sem).wait()

  for p in range(2):
    rel = 2 * c + p
    pltpu.sync_copy(zacc_hbm, acc_s.at[pl.ds(s * _STRIPE, _STRIPE)])
    pltpu.sync_copy(src_hbm.at[rel, s], src_v)
    pltpu.sync_copy(dst_hbm.at[rel, s], dst_v)
    pltpu.sync_copy(zcnt_hbm, cnt_v)
    plsc.subcore_barrier()

    _gather(0, rb0, gsem0)
    _gather(1, rb1, gsem1)
    _gwait(0, rb0, gsem0)
    _scatter(0, rb0, ssem0)

    def pair(i, carry):
      j1 = 2 * i + 1
      _gwait(j1, rb1, gsem1)
      _swait(j1 - 1, rb0, ssem0)
      _scatter(j1, rb1, ssem1)
      _gather(j1 + 1, rb0, gsem0)
      _count_chunk(j1 - 1, 0)
      _gwait(j1 + 1, rb0, gsem0)
      _swait(j1, rb1, ssem1)
      _scatter(j1 + 1, rb0, ssem0)
      _gather(j1 + 2, rb1, gsem1)
      _count_chunk(j1, 0)
      return carry

    lax.fori_loop(0, _NCHUNK // 2 - 1, pair, 0)
    last = _NCHUNK - 1
    _gwait(last, rb1, gsem1)
    _swait(last - 1, rb0, ssem0)
    _scatter(last, rb1, ssem1)
    _count_chunk(last - 1, 0)
    _count_chunk(last, 0)
    _swait(last, rb1, ssem1)
    pltpu.sync_copy(cnt_v, cnts_hbm.at[rel, s, 0])

    pltpu.sync_copy(zcnt_hbm, cnt_v)

    def cbody(j, carry):
      _count_chunk(j, _HALF)
      return carry

    lax.fori_loop(0, _NCHUNK, cbody, 0)
    pltpu.sync_copy(cnt_v, cnts_hbm.at[rel, s, 1])

    plsc.subcore_barrier()
    pltpu.sync_copy(acc_s.at[pl.ds(s * _STRIPE, _STRIPE)],
                    sums_hbm.at[rel, pl.ds(s * _STRIPE, _STRIPE)])


def _sc_aggregate(feat, src_chunks, dst_chunks, zacc, zcnt):
  mesh = plsc.VectorSubcoreMesh(core_axis_name="c", subcore_axis_name="s")
  k = pl.kernel(
      _sc_body,
      out_type=(
          jax.ShapeDtypeStruct((_R, _ROWS, _D), jnp.float32),
          jax.ShapeDtypeStruct((_R, _NS, 2, _HALF), jnp.float32),
      ),
      mesh=mesh,
      compiler_params=pltpu.CompilerParams(needs_layout_passes=False),
      scratch_types=[
          pltpu.VMEM_SHARED((_ROWS, _D), jnp.float32),
          pltpu.VMEM((_NCHUNK, _CHUNK), jnp.int32),
          pltpu.VMEM((_NCHUNK, _CHUNK), jnp.int32),
          pltpu.VMEM((_CHUNK, _D), jnp.float32),
          pltpu.VMEM((_CHUNK, _D), jnp.float32),
          pltpu.VMEM((_HALF,), jnp.float32),
          pltpu.SemaphoreType.DMA,
          pltpu.SemaphoreType.DMA,
          pltpu.SemaphoreType.DMA,
          pltpu.SemaphoreType.DMA,
      ],
  )
  return k(feat, src_chunks, dst_chunks, zacc, zcnt)


def _tc_self_body(feat_ref, selfw_ref, out_ref):
  out_ref[...] = jnp.dot(feat_ref[...], selfw_ref[...],
                         preferred_element_type=jnp.float32,
                         precision=lax.Precision.HIGHEST)


def _tc_self(feat, selfw):
  return pl.pallas_call(
      _tc_self_body,
      grid=(_N // _BLK,),
      in_specs=[
          pl.BlockSpec((_BLK, _D), lambda i: (i, 0)),
          pl.BlockSpec((_D, _D), lambda i: (0, 0)),
      ],
      out_specs=pl.BlockSpec((_BLK, _D), lambda i: (i, 0)),
      out_shape=jax.ShapeDtypeStruct((_N, _D), jnp.float32),
  )(feat, selfw)


def _tc_body(sums_ref, cnts_ref, selfacc_ref, bases_ref, coef_ref,
             gamma_ref, beta_ref, out_ref):
  acc = selfacc_ref[...]
  for r in range(_R):
    rw = coef_ref[r, 0] * bases_ref[0]
    for b in range(1, _NB):
      rw = rw + coef_ref[r, b] * bases_ref[b]
    cnt = jnp.sum(cnts_ref[r], axis=-1)[:, None]
    agg = sums_ref[r] / jnp.maximum(cnt, 1.0)
    acc = acc + jnp.dot(agg, rw, preferred_element_type=jnp.float32,
                        precision=lax.Precision.HIGHEST)
  mean = jnp.mean(acc, axis=-1, keepdims=True)
  var = jnp.mean((acc - mean) ** 2, axis=-1, keepdims=True)
  out_ref[...] = ((acc - mean) * lax.rsqrt(var + 1e-5) * gamma_ref[...]
                  + beta_ref[...])


def _tc_finish(sums, cnts, selfacc, bases, coef, gamma, beta):
  grid = _N // _BLK
  return pl.pallas_call(
      _tc_body,
      grid=(grid,),
      in_specs=[
          pl.BlockSpec((_R, _BLK, _D), lambda i: (0, i, 0)),
          pl.BlockSpec((_R, _BLK, _NS), lambda i: (0, i, 0)),
          pl.BlockSpec((_BLK, _D), lambda i: (i, 0)),
          pl.BlockSpec((_NB, _D, _D), lambda i: (0, 0, 0)),
          pl.BlockSpec(memory_space=pltpu.SMEM),
          pl.BlockSpec((1, _D), lambda i: (0, 0)),
          pl.BlockSpec((1, _D), lambda i: (0, 0)),
      ],
      out_specs=pl.BlockSpec((_BLK, _D), lambda i: (i, 0)),
      out_shape=jax.ShapeDtypeStruct((_N, _D), jnp.float32),
  )(sums, cnts, selfacc, bases, coef, gamma, beta)


def kernel(feat, edge_index_r0, edge_index_r1, edge_index_r2, edge_index_r3,
           weight_bases, weight_coefficients, self_weight, ln_gamma, ln_beta):
  edges = jnp.stack(
      [edge_index_r0, edge_index_r1, edge_index_r2, edge_index_r3]
  ).astype(jnp.int32)
  src = edges[:, 0, :].reshape(_R, _NS, _EDGES_PER_TILE)
  dst = edges[:, 1, :].reshape(_R, _NS, _EDGES_PER_TILE)
  pad = _PAD_EDGES - _EDGES_PER_TILE
  src = jnp.pad(src, ((0, 0), (0, 0), (0, pad)), constant_values=0)
  dst = jnp.pad(dst, ((0, 0), (0, 0), (0, pad)), constant_values=_N)
  src = src.reshape(_R, _NS, _NCHUNK, _CHUNK)
  dst = dst.reshape(_R, _NS, _NCHUNK, _CHUNK)

  zacc = jnp.zeros((_STRIPE, _D), jnp.float32)
  zcnt = jnp.zeros((_HALF,), jnp.float32)

  selfacc = _tc_self(feat, self_weight)
  sums, cnts = _sc_aggregate(feat, src, dst, zacc, zcnt)
  cnts = cnts.reshape(_R, _NS, _ROWS).transpose(0, 2, 1)
  return _tc_finish(sums, cnts, selfacc, weight_bases, weight_coefficients,
                    ln_gamma.reshape(1, _D), ln_beta.reshape(1, _D))

# --- scband reference (transcript-rebuilt; emitter-appended) ---
"""Pipeline reference for scband-relational-graph-conv-9577777070223 (READ-ONLY COPY).

The authoritative reference and input builder live on the scoring server;
editing this copy changes nothing except your own understanding.
"""

import jax, jax.numpy as jnp
import numpy as np

N = 10000
E = 80000
D_IN = 128
D_OUT = 128
NUM_REL = 4
NUM_BASES = 4


def _xavier(key, shape):
    fan_in, fan_out = shape[-2], shape[-1]
    limit = float(np.sqrt(6.0 / (fan_in + fan_out)))
    return jax.random.uniform(key, shape, dtype=jnp.float32, minval=-limit, maxval=limit)


def setup_inputs(seed: int = 0) -> dict:
    key = jax.random.key(seed)
    ks = jax.random.split(key, 12)
    feat = jax.random.normal(ks[0], (N, D_IN), dtype=jnp.float32)
    edge_index_r0 = jax.random.randint(ks[1], (2, E), 0, N)
    edge_index_r1 = jax.random.randint(ks[2], (2, E), 0, N)
    edge_index_r2 = jax.random.randint(ks[3], (2, E), 0, N)
    edge_index_r3 = jax.random.randint(ks[4], (2, E), 0, N)
    weight_bases = _xavier(ks[5], (NUM_BASES, D_IN, D_OUT))
    weight_coefficients = _xavier(ks[6], (NUM_REL, NUM_BASES))
    self_weight = _xavier(ks[7], (D_IN, D_OUT))
    ln_gamma = jnp.ones((D_OUT,), dtype=jnp.float32)
    ln_beta = jnp.zeros((D_OUT,), dtype=jnp.float32)
    return {
        "feat": feat,
        "edge_index_r0": edge_index_r0,
        "edge_index_r1": edge_index_r1,
        "edge_index_r2": edge_index_r2,
        "edge_index_r3": edge_index_r3,
        "weight_bases": weight_bases,
        "weight_coefficients": weight_coefficients,
        "self_weight": self_weight,
        "ln_gamma": ln_gamma,
        "ln_beta": ln_beta,
    }


def _mean_aggregate(rel_feat, src, dst, n_nodes):
    # DGL copy_u('h','m') + mean('m','h_agg'): for edge (u,v) message h[u], mean over in-edges at v
    msg = jnp.take(rel_feat, src, axis=0)
    summed = jax.ops.segment_sum(msg, dst, num_segments=n_nodes)
    cnt = jax.ops.segment_sum(jnp.ones(src.shape[0], dtype=rel_feat.dtype), dst, num_segments=n_nodes)
    return summed / jnp.maximum(cnt, 1.0)[:, None]


def _layer_norm(x, gamma, beta, eps=1e-5):
    mean = jnp.mean(x, axis=-1, keepdims=True)
    var = jnp.mean((x - mean) ** 2, axis=-1, keepdims=True)
    return (x - mean) / jnp.sqrt(var + eps) * gamma + beta


def reference(feat, edge_index_r0, edge_index_r1, edge_index_r2, edge_index_r3,
              weight_bases, weight_coefficients, self_weight, ln_gamma, ln_beta):
    edges = [edge_index_r0, edge_index_r1, edge_index_r2, edge_index_r3]
    n = feat.shape[0]
    # rel_weights: [R, in, out] via basis decomposition
    rel_weights = jnp.einsum("rb,bio->rio", weight_coefficients, weight_bases)
    out_feat = jnp.zeros((n, D_OUT), dtype=feat.dtype)
    for rel_idx in range(NUM_REL):
        rel_w = rel_weights[rel_idx]
        rel_feat = jnp.matmul(feat, rel_w)
        src = edges[rel_idx][0]
        dst = edges[rel_idx][1]
        h_agg = _mean_aggregate(rel_feat, src, dst, n)
        out_feat = out_feat + h_agg
    # self loop
    out_feat = out_feat + jnp.matmul(feat, self_weight)
    # layer norm
    out_feat = _layer_norm(out_feat, ln_gamma, ln_beta)
    # dropout p=0.0 (identity in eval), activation None
    return out_feat

if __name__ == "__main__":
    import jax
    _d = setup_inputs()
    print(jax.jit(kernel)(*tuple(_d.values())))

</pallas_src>

<mosaic_0001>
#map = affine_map<(d0, d1) -> (0, 0)>
#map1 = affine_map<(d0, d1) -> (0, 0, 0, 0)>
#map2 = affine_map<(d0, d1) -> (0)>
#map3 = affine_map<(d0, d1) -> (0, 0, 0)>
module attributes {stable_mosaic.version = 14 : i64} {
  func.func @_sc_body(%arg0: i32, %arg1: i32, %arg2: memref<10000x128xf32, #tpu.memory_space<hbm>>, %arg3: memref<4x16x80x64xi32, #tpu.memory_space<hbm>>, %arg4: memref<4x16x80x64xi32, #tpu.memory_space<hbm>>, %arg5: memref<632x128xf32, #tpu.memory_space<hbm>>, %arg6: memref<5056xf32, #tpu.memory_space<hbm>>, %arg7: memref<4x10112x128xf32, #tpu.memory_space<hbm>>, %arg8: memref<4x16x2x5056xf32, #tpu.memory_space<hbm>>, %arg9: memref<10112x128xf32, #tpu.memory_space<vmem_shared>>, %arg10: memref<80x64xi32, #tpu.memory_space<vmem>>, %arg11: memref<80x64xi32, #tpu.memory_space<vmem>>, %arg12: memref<64x128xf32, #tpu.memory_space<vmem>>, %arg13: memref<64x128xf32, #tpu.memory_space<vmem>>, %arg14: memref<5056xf32, #tpu.memory_space<vmem>>, %arg15: memref<!tpu.dma_semaphore, #tpu.memory_space<semaphore_mem>>, %arg16: memref<!tpu.dma_semaphore, #tpu.memory_space<semaphore_mem>>, %arg17: memref<!tpu.dma_semaphore, #tpu.memory_space<semaphore_mem>>, %arg18: memref<!tpu.dma_semaphore, #tpu.memory_space<semaphore_mem>>) attributes {dimension_semantics = [#tpu.dimension_semantics<core_parallel>, #tpu.dimension_semantics<subcore_parallel>], iteration_bounds = array<i64: 2, 16>, scalar_prefetch = 0 : i64, scratch_operands = 10 : i64, tpu.core_type = #tpu.core_type<sc_vector_subcore>, window_params = [{transform_indices = #map}, {transform_indices = #map1}, {transform_indices = #map1}, {transform_indices = #map}, {transform_indices = #map2}, {transform_indices = #map3}, {transform_indices = #map1}]} {
    %broadcast_in_dim3A = arith.constant 1.000000e+00 : f32
    %broadcast_in_dim3A_0 = vector.broadcast %broadcast_in_dim3A : f32 to vector<16xf32>
    %mul3A = arith.constant 2 : i32
    %mul3A_1 = arith.muli %mul3A, %arg0 : i32
    %add3A = arith.constant 0 : i32
    %add3A_2 = arith.addi %mul3A_1, %add3A : i32
    %mul3A_3 = arith.constant 632 : i32
    %mul3A_4 = arith.muli %arg1, %mul3A_3 : i32
    "tpu.region"() ({
      %run_scoped3A_423 = tpu.sem_alloc : memref<!tpu.dma_semaphore, #tpu.memory_space<semaphore_mem>>
      %dma_start3A_424 = arith.constant 0 : i32
      %dma_start3A_425 = tpu.memref_slice %arg9[%mul3A_4, %dma_start3A_424] : memref<10112x128xf32, #tpu.memory_space<vmem_shared>> -> memref<632x128xf32, #tpu.memory_space<vmem_shared>>
      tpu.enqueue_dma source(%arg5 : memref<632x128xf32, #tpu.memory_space<hbm>>) target(%dma_start3A_425 : memref<632x128xf32, #tpu.memory_space<vmem_shared>>) target_semaphore(%run_scoped3A_423 : memref<!tpu.dma_semaphore, #tpu.memory_space<semaphore_mem>>)
      %dma_wait3A_426 = arith.constant 0 : i32
      %dma_wait3A_427 = tpu.memref_slice %arg9[%mul3A_4, %dma_wait3A_426] : memref<10112x128xf32, #tpu.memory_space<vmem_shared>> -> memref<632x128xf32, #tpu.memory_space<vmem_shared>>
      tpu.wait_dma2 semaphore(%run_scoped3A_423 : memref<!tpu.dma_semaphore, #tpu.memory_space<semaphore_mem>>) src(%arg5 : memref<632x128xf32, #tpu.memory_space<hbm>>) dst(%dma_wait3A_427 : memref<632x128xf32, #tpu.memory_space<vmem_shared>>)
      tpu.yield
    }) : () -> ()
    "tpu.region"() ({
      %run_scoped3A_423 = tpu.sem_alloc : memref<!tpu.dma_semaphore, #tpu.memory_space<semaphore_mem>>
      %dma_start3A_424 = arith.constant 0 : i32
      %dma_start3A_425 = arith.constant 0 : i32
      %dma_start3A_426 = tpu.memref_slice %arg3[%add3A_2, %arg1, %dma_start3A_424, %dma_start3A_425] : memref<4x16x80x64xi32, #tpu.memory_space<hbm>> -> memref<1x1x80x64xi32, #tpu.memory_space<hbm>>
      %dma_start3A_427 = tpu.memref_squeeze %dma_start3A_426 : memref<1x1x80x64xi32, #tpu.memory_space<hbm>> -> memref<80x64xi32, #tpu.memory_space<hbm>>
      %dma_start3A_428 = arith.constant 0 : i32
      %dma_start3A_429 = arith.constant 0 : i32
      %dma_start3A_430 = tpu.memref_slice %arg3[%add3A_2, %arg1, %dma_start3A_428, %dma_start3A_429] : memref<4x16x80x64xi32, #tpu.memory_space<hbm>> -> memref<1x1x80x64xi32, #tpu.memory_space<hbm>>
      %dma_start3A_431 = tpu.memref_squeeze %dma_start3A_430 : memref<1x1x80x64xi32, #tpu.memory_space<hbm>> -> memref<80x64xi32, #tpu.memory_space<hbm>>
      tpu.enqueue_dma source(%dma_start3A_431 : memref<80x64xi32, #tpu.memory_space<hbm>>) target(%arg10 : memref<80x64xi32, #tpu.memory_space<vmem>>) target_semaphore(%run_scoped3A_423 : memref<!tpu.dma_semaphore, #tpu.memory_space<semaphore_mem>>)
      %dma_wait3A_432 = arith.constant 0 : i32
      %dma_wait3A_433 = arith.constant 0 : i32
      %dma_wait3A_434 = tpu.memref_slice %arg3[%add3A_2, %arg1, %dma_wait3A_432, %dma_wait3A_433] : memref<4x16x80x64xi32, #tpu.memory_space<hbm>> -> memref<1x1x80x64xi32, #tpu.memory_space<hbm>>
      %dma_wait3A_435 = tpu.memref_squeeze %dma_wait3A_434 : memref<1x1x80x64xi32, #tpu.memory_space<hbm>> -> memref<80x64xi32, #tpu.memory_space<hbm>>
      %dma_wait3A_436 = arith.constant 0 : i32
      %dma_wait3A_437 = arith.constant 0 : i32
      %dma_wait3A_438 = tpu.memref_slice %arg3[%add3A_2, %arg1, %dma_wait3A_436, %dma_wait3A_437] : memref<4x16x80x64xi32, #tpu.memory_space<hbm>> -> memref<1x1x80x64xi32, #tpu.memory_space<hbm>>
      %dma_wait3A_439 = tpu.memref_squeeze %dma_wait3A_438 : memref<1x1x80x64xi32, #tpu.memory_space<hbm>> -> memref<80x64xi32, #tpu.memory_space<hbm>>
      tpu.wait_dma2 semaphore(%run_scoped3A_423 : memref<!tpu.dma_semaphore, #tpu.memory_space<semaphore_mem>>) src(%dma_wait3A_439 : memref<80x64xi32, #tpu.memory_space<hbm>>) dst(%arg10 : memref<80x64xi32, #tpu.memory_space<vmem>>)
      tpu.yield
    }) : () -> ()
    "tpu.region"() ({
      %run_scoped3A_423 = tpu.sem_alloc : memref<!tpu.dma_semaphore, #tpu.memory_space<semaphore_mem>>
      %dma_start3A_424 = arith.constant 0 : i32
      %dma_start3A_425 = arith.constant 0 : i32
      %dma_start3A_426 = tpu.memref_slice %arg4[%add3A_2, %arg1, %dma_start3A_424, %dma_start3A_425] : memref<4x16x80x64xi32, #tpu.memory_space<hbm>> -> memref<1x1x80x64xi32, #tpu.memory_space<hbm>>
      %dma_start3A_427 = tpu.memref_squeeze %dma_start3A_426 : memref<1x1x80x64xi32, #tpu.memory_space<hbm>> -> memref<80x64xi32, #tpu.memory_space<hbm>>
      %dma_start3A_428 = arith.constant 0 : i32
      %dma_start3A_429 = arith.constant 0 : i32
      %dma_start3A_430 = tpu.memref_slice %arg4[%add3A_2, %arg1, %dma_start3A_428, %dma_start3A_429] : memref<4x16x80x64xi32, #tpu.memory_space<hbm>> -> memref<1x1x80x64xi32, #tpu.memory_space<hbm>>
      %dma_start3A_431 = tpu.memref_squeeze %dma_start3A_430 : memref<1x1x80x64xi32, #tpu.memory_space<hbm>> -> memref<80x64xi32, #tpu.memory_space<hbm>>
      tpu.enqueue_dma source(%dma_start3A_431 : memref<80x64xi32, #tpu.memory_space<hbm>>) target(%arg11 : memref<80x64xi32, #tpu.memory_space<vmem>>) target_semaphore(%run_scoped3A_423 : memref<!tpu.dma_semaphore, #tpu.memory_space<semaphore_mem>>)
      %dma_wait3A_432 = arith.constant 0 : i32
      %dma_wait3A_433 = arith.constant 0 : i32
      %dma_wait3A_434 = tpu.memref_slice %arg4[%add3A_2, %arg1, %dma_wait3A_432, %dma_wait3A_433] : memref<4x16x80x64xi32, #tpu.memory_space<hbm>> -> memref<1x1x80x64xi32, #tpu.memory_space<hbm>>
      %dma_wait3A_435 = tpu.memref_squeeze %dma_wait3A_434 : memref<1x1x80x64xi32, #tpu.memory_space<hbm>> -> memref<80x64xi32, #tpu.memory_space<hbm>>
      %dma_wait3A_436 = arith.constant 0 : i32
      %dma_wait3A_437 = arith.constant 0 : i32
      %dma_wait3A_438 = tpu.memref_slice %arg4[%add3A_2, %arg1, %dma_wait3A_436, %dma_wait3A_437] : memref<4x16x80x64xi32, #tpu.memory_space<hbm>> -> memref<1x1x80x64xi32, #tpu.memory_space<hbm>>
      %dma_wait3A_439 = tpu.memref_squeeze %dma_wait3A_438 : memref<1x1x80x64xi32, #tpu.memory_space<hbm>> -> memref<80x64xi32, #tpu.memory_space<hbm>>
      tpu.wait_dma2 semaphore(%run_scoped3A_423 : memref<!tpu.dma_semaphore, #tpu.memory_space<semaphore_mem>>) src(%dma_wait3A_439 : memref<80x64xi32, #tpu.memory_space<hbm>>) dst(%arg11 : memref<80x64xi32, #tpu.memory_space<vmem>>)
      tpu.yield
    }) : () -> ()
    "tpu.region"() ({
      %run_scoped3A_423 = tpu.sem_alloc : memref<!tpu.dma_semaphore, #tpu.memory_space<semaphore_mem>>
      tpu.enqueue_dma source(%arg6 : memref<5056xf32, #tpu.memory_space<hbm>>) target(%arg14 : memref<5056xf32, #tpu.memory_space<vmem>>) target_semaphore(%run_scoped3A_423 : memref<!tpu.dma_semaphore, #tpu.memory_space<semaphore_mem>>)
      tpu.wait_dma2 semaphore(%run_scoped3A_423 : memref<!tpu.dma_semaphore, #tpu.memory_space<semaphore_mem>>) src(%arg6 : memref<5056xf32, #tpu.memory_space<hbm>>) dst(%arg14 : memref<5056xf32, #tpu.memory_space<vmem>>)
      tpu.yield
    }) : () -> ()
    %barrier3A = arith.constant 0 : index
    tpu.barrier barrier_id(%barrier3A)
    %dma_start3A = arith.constant 0 : i32
    %dma_start3A_5 = arith.constant 0 : i32
    %dma_start3A_6 = tpu.memref_slice %arg10[%dma_start3A, %dma_start3A_5] : memref<80x64xi32, #tpu.memory_space<vmem>> -> memref<1x64xi32, #tpu.memory_space<vmem>>
    %dma_start3A_7 = tpu.memref_squeeze %dma_start3A_6 : memref<1x64xi32, #tpu.memory_space<vmem>> -> memref<64xi32, #tpu.memory_space<vmem>>
    %dma_start3A_8 = arith.constant 0 : i32
    %dma_start3A_9 = arith.constant 0 : i32
    %dma_start3A_10 = tpu.memref_slice %arg2[%dma_start3A_8, %dma_start3A_9] : memref<10000x128xf32, #tpu.memory_space<hbm>> -> memref<10000x128xf32, #tpu.memory_space<hbm>>
    tpu.enqueue_indirect_dma source(%dma_start3A_10 : memref<10000x128xf32, #tpu.memory_space<hbm>>) target(%arg12 : memref<64x128xf32, #tpu.memory_space<vmem>>) offsets(%dma_start3A_7 : memref<64xi32, #tpu.memory_space<vmem>>) semaphore(%arg15 : memref<!tpu.dma_semaphore, #tpu.memory_space<semaphore_mem>>)
    %dma_start3A_11 = arith.constant 1 : i32
    %dma_start3A_12 = arith.constant 0 : i32
    %dma_start3A_13 = tpu.memref_slice %arg10[%dma_start3A_11, %dma_start3A_12] : memref<80x64xi32, #tpu.memory_space<vmem>> -> memref<1x64xi32, #tpu.memory_space<vmem>>
    %dma_start3A_14 = tpu.memref_squeeze %dma_start3A_13 : memref<1x64xi32, #tpu.memory_space<vmem>> -> memref<64xi32, #tpu.memory_space<vmem>>
    %dma_start3A_15 = arith.constant 0 : i32
    %dma_start3A_16 = arith.constant 0 : i32
    %dma_start3A_17 = tpu.memref_slice %arg2[%dma_start3A_15, %dma_start3A_16] : memref<10000x128xf32, #tpu.memory_space<hbm>> -> memref<10000x128xf32, #tpu.memory_space<hbm>>
    tpu.enqueue_indirect_dma source(%dma_start3A_17 : memref<10000x128xf32, #tpu.memory_space<hbm>>) target(%arg13 : memref<64x128xf32, #tpu.memory_space<vmem>>) offsets(%dma_start3A_14 : memref<64xi32, #tpu.memory_space<vmem>>) semaphore(%arg16 : memref<!tpu.dma_semaphore, #tpu.memory_space<semaphore_mem>>)
    %dma_wait3A = arith.constant 0 : i32
    %dma_wait3A_18 = arith.constant 0 : i32
    %dma_wait3A_19 = tpu.memref_slice %arg10[%dma_wait3A, %dma_wait3A_18] : memref<80x64xi32, #tpu.memory_space<vmem>> -> memref<1x64xi32, #tpu.memory_space<vmem>>
    %dma_wait3A_20 = tpu.memref_squeeze %dma_wait3A_19 : memref<1x64xi32, #tpu.memory_space<vmem>> -> memref<64xi32, #tpu.memory_space<vmem>>
    %dma_wait3A_21 = arith.constant 0 : i32
    %dma_wait3A_22 = arith.constant 0 : i32
    %dma_wait3A_23 = tpu.memref_slice %arg2[%dma_wait3A_21, %dma_wait3A_22] : memref<10000x128xf32, #tpu.memory_space<hbm>> -> memref<10000x128xf32, #tpu.memory_space<hbm>>
    tpu.wait_indirect_dma semaphore(%arg15 : memref<!tpu.dma_semaphore, #tpu.memory_space<semaphore_mem>>) src(%dma_wait3A_23 : memref<10000x128xf32, #tpu.memory_space<hbm>>) dst(%arg12 : memref<64x128xf32, #tpu.memory_space<vmem>>)
    %dma_start3A_24 = arith.constant 0 : i32
    %dma_start3A_25 = arith.constant 0 : i32
    %dma_start3A_26 = tpu.memref_slice %arg11[%dma_start3A_24, %dma_start3A_25] : memref<80x64xi32, #tpu.memory_space<vmem>> -> memref<1x64xi32, #tpu.memory_space<vmem>>
    %dma_start3A_27 = tpu.memref_squeeze %dma_start3A_26 : memref<1x64xi32, #tpu.memory_space<vmem>> -> memref<64xi32, #tpu.memory_space<vmem>>
    %dma_start3A_28 = arith.constant 0 : i32
    %dma_start3A_29 = arith.constant 0 : i32
    %dma_start3A_30 = tpu.memref_slice %arg9[%dma_start3A_28, %dma_start3A_29] : memref<10112x128xf32, #tpu.memory_space<vmem_shared>> -> memref<10112x128xf32, #tpu.memory_space<vmem_shared>>
    tpu.enqueue_indirect_dma source(%arg12 : memref<64x128xf32, #tpu.memory_space<vmem>>) target(%dma_start3A_30 : memref<10112x128xf32, #tpu.memory_space<vmem_shared>>) offsets(%dma_start3A_27 : memref<64xi32, #tpu.memory_space<vmem>>) semaphore(%arg17 : memref<!tpu.dma_semaphore, #tpu.memory_space<semaphore_mem>>) {add = true}
    %scan3A = arith.constant 0 : i32
    %scan3A_31 = arith.constant 0 : i32
    %scan3A_32 = arith.constant 39 : i32
    %scan3A_33 = arith.addi %scan3A_31, %scan3A_32 : i32
    %scan3A_34 = arith.constant 1 : i32
    scf.for %scan3A_423 = %scan3A_31 to %scan3A_33 step %scan3A_34  : i32 {
      %mul3A_424 = arith.constant 2 : i32
      %mul3A_425 = arith.muli %mul3A_424, %scan3A_423 : i32
      %add3A_426 = arith.constant 1 : i32
      %add3A_427 = arith.addi %mul3A_425, %add3A_426 : i32
      %dma_wait3A_428 = arith.constant 0 : i32
      %dma_wait3A_429 = tpu.memref_slice %arg10[%add3A_427, %dma_wait3A_428] : memref<80x64xi32, #tpu.memory_space<vmem>> -> memref<1x64xi32, #tpu.memory_space<vmem>>
      %dma_wait3A_430 = tpu.memref_squeeze %dma_wait3A_429 : memref<1x64xi32, #tpu.memory_space<vmem>> -> memref<64xi32, #tpu.memory_space<vmem>>
      %dma_wait3A_431 = arith.constant 0 : i32
      %dma_wait3A_432 = arith.constant 0 : i32
      %dma_wait3A_433 = tpu.memref_slice %arg2[%dma_wait3A_431, %dma_wait3A_432] : memref<10000x128xf32, #tpu.memory_space<hbm>> -> memref<10000x128xf32, #tpu.memory_space<hbm>>
      tpu.wait_indirect_dma semaphore(%arg16 : memref<!tpu.dma_semaphore, #tpu.memory_space<semaphore_mem>>) src(%dma_wait3A_433 : memref<10000x128xf32, #tpu.memory_space<hbm>>) dst(%arg13 : memref<64x128xf32, #tpu.memory_space<vmem>>)
      %sub3A_434 = arith.constant 1 : i32
      %sub3A_435 = arith.subi %add3A_427, %sub3A_434 : i32
      %dma_wait3A_436 = arith.constant 0 : i32
      %dma_wait3A_437 = tpu.memref_slice %arg11[%sub3A_435, %dma_wait3A_436] : memref<80x64xi32, #tpu.memory_space<vmem>> -> memref<1x64xi32, #tpu.memory_space<vmem>>
      %dma_wait3A_438 = tpu.memref_squeeze %dma_wait3A_437 : memref<1x64xi32, #tpu.memory_space<vmem>> -> memref<64xi32, #tpu.memory_space<vmem>>
      %dma_wait3A_439 = arith.constant 0 : i32
      %dma_wait3A_440 = arith.constant 0 : i32
      %dma_wait3A_441 = tpu.memref_slice %arg9[%dma_wait3A_439, %dma_wait3A_440] : memref<10112x128xf32, #tpu.memory_space<vmem_shared>> -> memref<10112x128xf32, #tpu.memory_space<vmem_shared>>
      tpu.wait_indirect_dma semaphore(%arg17 : memref<!tpu.dma_semaphore, #tpu.memory_space<semaphore_mem>>) src(%arg12 : memref<64x128xf32, #tpu.memory_space<vmem>>) dst(%dma_wait3A_441 : memref<10112x128xf32, #tpu.memory_space<vmem_shared>>)
      %dma_start3A_442 = arith.constant 0 : i32
      %dma_start3A_443 = tpu.memref_slice %arg11[%add3A_427, %dma_start3A_442] : memref<80x64xi32, #tpu.memory_space<vmem>> -> memref<1x64xi32, #tpu.memory_space<vmem>>
      %dma_start3A_444 = tpu.memref_squeeze %dma_start3A_443 : memref<1x64xi32, #tpu.memory_space<vmem>> -> memref<64xi32, #tpu.memory_space<vmem>>
      %dma_start3A_445 = arith.constant 0 : i32
      %dma_start3A_446 = arith.constant 0 : i32
      %dma_start3A_447 = tpu.memref_slice %arg9[%dma_start3A_445, %dma_start3A_446] : memref<10112x128xf32, #tpu.memory_space<vmem_shared>> -> memref<10112x128xf32, #tpu.memory_space<vmem_shared>>
      tpu.enqueue_indirect_dma source(%arg13 : memref<64x128xf32, #tpu.memory_space<vmem>>) target(%dma_start3A_447 : memref<10112x128xf32, #tpu.memory_space<vmem_shared>>) offsets(%dma_start3A_444 : memref<64xi32, #tpu.memory_space<vmem>>) semaphore(%arg18 : memref<!tpu.dma_semaphore, #tpu.memory_space<semaphore_mem>>) {add = true}
      %add3A_448 = arith.constant 1 : i32
      %add3A_449 = arith.addi %add3A_427, %add3A_448 : i32
      %dma_start3A_450 = arith.constant 0 : i32
      %dma_start3A_451 = tpu.memref_slice %arg10[%add3A_449, %dma_start3A_450] : memref<80x64xi32, #tpu.memory_space<vmem>> -> memref<1x64xi32, #tpu.memory_space<vmem>>
      %dma_start3A_452 = tpu.memref_squeeze %dma_start3A_451 : memref<1x64xi32, #tpu.memory_space<vmem>> -> memref<64xi32, #tpu.memory_space<vmem>>
      %dma_start3A_453 = arith.constant 0 : i32
      %dma_start3A_454 = arith.constant 0 : i32
      %dma_start3A_455 = tpu.memref_slice %arg2[%dma_start3A_453, %dma_start3A_454] : memref<10000x128xf32, #tpu.memory_space<hbm>> -> memref<10000x128xf32, #tpu.memory_space<hbm>>
      tpu.enqueue_indirect_dma source(%dma_start3A_455 : memref<10000x128xf32, #tpu.memory_space<hbm>>) target(%arg12 : memref<64x128xf32, #tpu.memory_space<vmem>>) offsets(%dma_start3A_452 : memref<64xi32, #tpu.memory_space<vmem>>) semaphore(%arg15 : memref<!tpu.dma_semaphore, #tpu.memory_space<semaphore_mem>>)
      %sub3A_456 = arith.constant 1 : i32
      %sub3A_457 = arith.subi %add3A_427, %sub3A_456 : i32
      %get3A_458 = arith.index_cast %sub3A_457 : i32 to index
      %get3A_459 = arith.constant 0 : index
      %get3A_460 = tpu.vector_load %arg11[%get3A_458, %get3A_459] {strides = array<i32>} : memref<80x64xi32, #tpu.memory_space<vmem>>, vector<16xi32>,
      %ge3A_461 = arith.constant 0 : i32
      %ge3A_462 = vector.broadcast %ge3A_461 : i32 to vector<16xi32>
      %ge3A_463 = arith.cmpi sge, %get3A_460, %ge3A_462 : vector<16xi32>
      %lt3A_464 = arith.constant 5056 : i32
      %lt3A_465 = vector.broadcast %lt3A_464 : i32 to vector<16xi32>
      %lt3A_466 = arith.cmpi slt, %get3A_460, %lt3A_465 : vector<16xi32>
      %and3A_467 = arith.andi %ge3A_463, %lt3A_466 : vector<16xi1>
      %sub3A_468 = arith.constant 0 : i32
      %sub3A_469 = vector.broadcast %sub3A_468 : i32 to vector<16xi32>
      %sub3A_470 = arith.subi %get3A_460, %sub3A_469 : vector<16xi32>
      %jit3A_471 = arith.constant 0 : i32
      %broadcast_in_dim3A_472 = vector.broadcast %jit3A_471 : i32 to vector<16xi32>
      %select_n3A_473 = arith.select %and3A_467, %sub3A_470, %broadcast_in_dim3A_472 : vector<16xi1>, vector<16xi32>
      tpu.vector_store_idx %arg14[%select_n3A_473], %broadcast_in_dim3A_0 masked %and3A_467 {add = true} : memref<5056xf32, #tpu.memory_space<vmem>>[vector<16xi32>], vector<16xf32>, vector<16xi1>
      %get3A_474 = arith.index_cast %sub3A_457 : i32 to index
      %get3A_475 = arith.constant 16 : index
      %get3A_476 = tpu.vector_load %arg11[%get3A_474, %get3A_475] {strides = array<i32>} : memref<80x64xi32, #tpu.memory_space<vmem>>, vector<16xi32>,
      %ge3A_477 = arith.constant 0 : i32
      %ge3A_478 = vector.broadcast %ge3A_477 : i32 to vector<16xi32>
      %ge3A_479 = arith.cmpi sge, %get3A_476, %ge3A_478 : vector<16xi32>
      %lt3A_480 = arith.constant 5056 : i32
      %lt3A_481 = vector.broadcast %lt3A_480 : i32 to vector<16xi32>
      %lt3A_482 = arith.cmpi slt, %get3A_476, %lt3A_481 : vector<16xi32>
      %and3A_483 = arith.andi %ge3A_479, %lt3A_482 : vector<16xi1>
      %sub3A_484 = arith.constant 0 : i32
      %sub3A_485 = vector.broadcast %sub3A_484 : i32 to vector<16xi32>
      %sub3A_486 = arith.subi %get3A_476, %sub3A_485 : vector<16xi32>
      %jit3A_487 = arith.constant 0 : i32
      %broadcast_in_dim3A_488 = vector.broadcast %jit3A_487 : i32 to vector<16xi32>
      %select_n3A_489 = arith.select %and3A_483, %sub3A_486, %broadcast_in_dim3A_488 : vector<16xi1>, vector<16xi32>
      tpu.vector_store_idx %arg14[%select_n3A_489], %broadcast_in_dim3A_0 masked %and3A_483 {add = true} : memref<5056xf32, #tpu.memory_space<vmem>>[vector<16xi32>], vector<16xf32>, vector<16xi1>
      %get3A_490 = arith.index_cast %sub3A_457 : i32 to index
      %get3A_491 = arith.constant 32 : index
      %get3A_492 = tpu.vector_load %arg11[%get3A_490, %get3A_491] {strides = array<i32>} : memref<80x64xi32, #tpu.memory_space<vmem>>, vector<16xi32>,
      %ge3A_493 = arith.constant 0 : i32
      %ge3A_494 = vector.broadcast %ge3A_493 : i32 to vector<16xi32>
      %ge3A_495 = arith.cmpi sge, %get3A_492, %ge3A_494 : vector<16xi32>
      %lt3A_496 = arith.constant 5056 : i32
      %lt3A_497 = vector.broadcast %lt3A_496 : i32 to vector<16xi32>
      %lt3A_498 = arith.cmpi slt, %get3A_492, %lt3A_497 : vector<16xi32>
      %and3A_499 = arith.andi %ge3A_495, %lt3A_498 : vector<16xi1>
      %sub3A_500 = arith.constant 0 : i32
      %sub3A_501 = vector.broadcast %sub3A_500 : i32 to vector<16xi32>
      %sub3A_502 = arith.subi %get3A_492, %sub3A_501 : vector<16xi32>
      %jit3A_503 = arith.constant 0 : i32
      %broadcast_in_dim3A_504 = vector.broadcast %jit3A_503 : i32 to vector<16xi32>
      %select_n3A_505 = arith.select %and3A_499, %sub3A_502, %broadcast_in_dim3A_504 : vector<16xi1>, vector<16xi32>
      tpu.vector_store_idx %arg14[%select_n3A_505], %broadcast_in_dim3A_0 masked %and3A_499 {add = true} : memref<5056xf32, #tpu.memory_space<vmem>>[vector<16xi32>], vector<16xf32>, vector<16xi1>
      %get3A_506 = arith.index_cast %sub3A_457 : i32 to index
      %get3A_507 = arith.constant 48 : index
      %get3A_508 = tpu.vector_load %arg11[%get3A_506, %get3A_507] {strides = array<i32>} : memref<80x64xi32, #tpu.memory_space<vmem>>, vector<16xi32>,
      %ge3A_509 = arith.constant 0 : i32
      %ge3A_510 = vector.broadcast %ge3A_509 : i32 to vector<16xi32>
      %ge3A_511 = arith.cmpi sge, %get3A_508, %ge3A_510 : vector<16xi32>
      %lt3A_512 = arith.constant 5056 : i32
      %lt3A_513 = vector.broadcast %lt3A_512 : i32 to vector<16xi32>
      %lt3A_514 = arith.cmpi slt, %get3A_508, %lt3A_513 : vector<16xi32>
      %and3A_515 = arith.andi %ge3A_511, %lt3A_514 : vector<16xi1>
      %sub3A_516 = arith.constant 0 : i32
      %sub3A_517 = vector.broadcast %sub3A_516 : i32 to vector<16xi32>
      %sub3A_518 = arith.subi %get3A_508, %sub3A_517 : vector<16xi32>
      %jit3A_519 = arith.constant 0 : i32
      %broadcast_in_dim3A_520 = vector.broadcast %jit3A_519 : i32 to vector<16xi32>
      %select_n3A_521 = arith.select %and3A_515, %sub3A_518, %broadcast_in_dim3A_520 : vector<16xi1>, vector<16xi32>
      tpu.vector_store_idx %arg14[%select_n3A_521], %broadcast_in_dim3A_0 masked %and3A_515 {add = true} : memref<5056xf32, #tpu.memory_space<vmem>>[vector<16xi32>], vector<16xf32>, vector<16xi1>
      %add3A_522 = arith.constant 1 : i32
      %add3A_523 = arith.addi %add3A_427, %add3A_522 : i32
      %dma_wait3A_524 = arith.constant 0 : i32
      %dma_wait3A_525 = tpu.memref_slice %arg10[%add3A_523, %dma_wait3A_524] : memref<80x64xi32, #tpu.memory_space<vmem>> -> memref<1x64xi32, #tpu.memory_space<vmem>>
      %dma_wait3A_526 = tpu.memref_squeeze %dma_wait3A_525 : memref<1x64xi32, #tpu.memory_space<vmem>> -> memref<64xi32, #tpu.memory_space<vmem>>
      %dma_wait3A_527 = arith.constant 0 : i32
      %dma_wait3A_528 = arith.constant 0 : i32
      %dma_wait3A_529 = tpu.memref_slice %arg2[%dma_wait3A_527, %dma_wait3A_528] : memref<10000x128xf32, #tpu.memory_space<hbm>> -> memref<10000x128xf32, #tpu.memory_space<hbm>>
      tpu.wait_indirect_dma semaphore(%arg15 : memref<!tpu.dma_semaphore, #tpu.memory_space<semaphore_mem>>) src(%dma_wait3A_529 : memref<10000x128xf32, #tpu.memory_space<hbm>>) dst(%arg12 : memref<64x128xf32, #tpu.memory_space<vmem>>)
      %dma_wait3A_530 = arith.constant 0 : i32
      %dma_wait3A_531 = tpu.memref_slice %arg11[%add3A_427, %dma_wait3A_530] : memref<80x64xi32, #tpu.memory_space<vmem>> -> memref<1x64xi32, #tpu.memory_space<vmem>>
      %dma_wait3A_532 = tpu.memref_squeeze %dma_wait3A_531 : memref<1x64xi32, #tpu.memory_space<vmem>> -> memref<64xi32, #tpu.memory_space<vmem>>
      %dma_wait3A_533 = arith.constant 0 : i32
      %dma_wait3A_534 = arith.constant 0 : i32
      %dma_wait3A_535 = tpu.memref_slice %arg9[%dma_wait3A_533, %dma_wait3A_534] : memref<10112x128xf32, #tpu.memory_space<vmem_shared>> -> memref<10112x128xf32, #tpu.memory_space<vmem_shared>>
      tpu.wait_indirect_dma semaphore(%arg18 : memref<!tpu.dma_semaphore, #tpu.memory_space<semaphore_mem>>) src(%arg13 : memref<64x128xf32, #tpu.memory_space<vmem>>) dst(%dma_wait3A_535 : memref<10112x128xf32, #tpu.memory_space<vmem_shared>>)
      %add3A_536 = arith.constant 1 : i32
      %add3A_537 = arith.addi %add3A_427, %add3A_536 : i32
      %dma_start3A_538 = arith.constant 0 : i32
      %dma_start3A_539 = tpu.memref_slice %arg11[%add3A_537, %dma_start3A_538] : memref<80x64xi32, #tpu.memory_space<vmem>> -> memref<1x64xi32, #tpu.memory_space<vmem>>
      %dma_start3A_540 = tpu.memref_squeeze %dma_start3A_539 : memref<1x64xi32, #tpu.memory_space<vmem>> -> memref<64xi32, #tpu.memory_space<vmem>>
      %dma_start3A_541 = arith.constant 0 : i32
      %dma_start3A_542 = arith.constant 0 : i32
      %dma_start3A_543 = tpu.memref_slice %arg9[%dma_start3A_541, %dma_start3A_542] : memref<10112x128xf32, #tpu.memory_space<vmem_shared>> -> memref<10112x128xf32, #tpu.memory_space<vmem_shared>>
      tpu.enqueue_indirect_dma source(%arg12 : memref<64x128xf32, #tpu.memory_space<vmem>>) target(%dma_start3A_543 : memref<10112x128xf32, #tpu.memory_space<vmem_shared>>) offsets(%dma_start3A_540 : memref<64xi32, #tpu.memory_space<vmem>>) semaphore(%arg17 : memref<!tpu.dma_semaphore, #tpu.memory_space<semaphore_mem>>) {add = true}
      %add3A_544 = arith.constant 2 : i32
      %add3A_545 = arith.addi %add3A_427, %add3A_544 : i32
      %dma_start3A_546 = arith.constant 0 : i32
      %dma_start3A_547 = tpu.memref_slice %arg10[%add3A_545, %dma_start3A_546] : memref<80x64xi32, #tpu.memory_space<vmem>> -> memref<1x64xi32, #tpu.memory_space<vmem>>
      %dma_start3A_548 = tpu.memref_squeeze %dma_start3A_547 : memref<1x64xi32, #tpu.memory_space<vmem>> -> memref<64xi32, #tpu.memory_space<vmem>>
      %dma_start3A_549 = arith.constant 0 : i32
      %dma_start3A_550 = arith.constant 0 : i32
      %dma_start3A_551 = tpu.memref_slice %arg2[%dma_start3A_549, %dma_start3A_550] : memref<10000x128xf32, #tpu.memory_space<hbm>> -> memref<10000x128xf32, #tpu.memory_space<hbm>>
      tpu.enqueue_indirect_dma source(%dma_start3A_551 : memref<10000x128xf32, #tpu.memory_space<hbm>>) target(%arg13 : memref<64x128xf32, #tpu.memory_space<vmem>>) offsets(%dma_start3A_548 : memref<64xi32, #tpu.memory_space<vmem>>) semaphore(%arg16 : memref<!tpu.dma_semaphore, #tpu.memory_space<semaphore_mem>>)
      %get3A_552 = arith.index_cast %add3A_427 : i32 to index
      %get3A_553 = arith.constant 0 : index
      %get3A_554 = tpu.vector_load %arg11[%get3A_552, %get3A_553] {strides = array<i32>} : memref<80x64xi32, #tpu.memory_space<vmem>>, vector<16xi32>,
      %ge3A_555 = arith.constant 0 : i32
      %ge3A_556 = vector.broadcast %ge3A_555 : i32 to vector<16xi32>
      %ge3A_557 = arith.cmpi sge, %get3A_554, %ge3A_556 : vector<16xi32>
      %lt3A_558 = arith.constant 5056 : i32
      %lt3A_559 = vector.broadcast %lt3A_558 : i32 to vector<16xi32>
      %lt3A_560 = arith.cmpi slt, %get3A_554, %lt3A_559 : vector<16xi32>
      %and3A_561 = arith.andi %ge3A_557, %lt3A_560 : vector<16xi1>
      %sub3A_562 = arith.constant 0 : i32
      %sub3A_563 = vector.broadcast %sub3A_562 : i32 to vector<16xi32>
      %sub3A_564 = arith.subi %get3A_554, %sub3A_563 : vector<16xi32>
      %jit3A_565 = arith.constant 0 : i32
      %broadcast_in_dim3A_566 = vector.broadcast %jit3A_565 : i32 to vector<16xi32>
      %select_n3A_567 = arith.select %and3A_561, %sub3A_564, %broadcast_in_dim3A_566 : vector<16xi1>, vector<16xi32>
      tpu.vector_store_idx %arg14[%select_n3A_567], %broadcast_in_dim3A_0 masked %and3A_561 {add = true} : memref<5056xf32, #tpu.memory_space<vmem>>[vector<16xi32>], vector<16xf32>, vector<16xi1>
      %get3A_568 = arith.index_cast %add3A_427 : i32 to index
      %get3A_569 = arith.constant 16 : index
      %get3A_570 = tpu.vector_load %arg11[%get3A_568, %get3A_569] {strides = array<i32>} : memref<80x64xi32, #tpu.memory_space<vmem>>, vector<16xi32>,
      %ge3A_571 = arith.constant 0 : i32
      %ge3A_572 = vector.broadcast %ge3A_571 : i32 to vector<16xi32>
      %ge3A_573 = arith.cmpi sge, %get3A_570, %ge3A_572 : vector<16xi32>
      %lt3A_574 = arith.constant 5056 : i32
      %lt3A_575 = vector.broadcast %lt3A_574 : i32 to vector<16xi32>
      %lt3A_576 = arith.cmpi slt, %get3A_570, %lt3A_575 : vector<16xi32>
      %and3A_577 = arith.andi %ge3A_573, %lt3A_576 : vector<16xi1>
      %sub3A_578 = arith.constant 0 : i32
      %sub3A_579 = vector.broadcast %sub3A_578 : i32 to vector<16xi32>
      %sub3A_580 = arith.subi %get3A_570, %sub3A_579 : vector<16xi32>
      %jit3A_581 = arith.constant 0 : i32
      %broadcast_in_dim3A_582 = vector.broadcast %jit3A_581 : i32 to vector<16xi32>
      %select_n3A_583 = arith.select %and3A_577, %sub3A_580, %broadcast_in_dim3A_582 : vector<16xi1>, vector<16xi32>
      tpu.vector_store_idx %arg14[%select_n3A_583], %broadcast_in_dim3A_0 masked %and3A_577 {add = true} : memref<5056xf32, #tpu.memory_space<vmem>>[vector<16xi32>], vector<16xf32>, vector<16xi1>
      %get3A_584 = arith.index_cast %add3A_427 : i32 to index
      %get3A_585 = arith.constant 32 : index
      %get3A_586 = tpu.vector_load %arg11[%get3A_584, %get3A_585] {strides = array<i32>} : memref<80x64xi32, #tpu.memory_space<vmem>>, vector<16xi32>,
      %ge3A_587 = arith.constant 0 : i32
      %ge3A_588 = vector.broadcast %ge3A_587 : i32 to vector<16xi32>
      %ge3A_589 = arith.cmpi sge, %get3A_586, %ge3A_588 : vector<16xi32>
      %lt3A_590 = arith.constant 5056 : i32
      %lt3A_591 = vector.broadcast %lt3A_590 : i32 to vector<16xi32>
      %lt3A_592 = arith.cmpi slt, %get3A_586, %lt3A_591 : vector<16xi32>
      %and3A_593 = arith.andi %ge3A_589, %lt3A_592 : vector<16xi1>
      %sub3A_594 = arith.constant 0 : i32
      %sub3A_595 = vector.broadcast %sub3A_594 : i32 to vector<16xi32>
      %sub3A_596 = arith.subi %get3A_586, %sub3A_595 : vector<16xi32>
      %jit3A_597 = arith.constant 0 : i32
      %broadcast_in_dim3A_598 = vector.broadcast %jit3A_597 : i32 to vector<16xi32>
      %select_n3A_599 = arith.select %and3A_593, %sub3A_596, %broadcast_in_dim3A_598 : vector<16xi1>, vector<16xi32>
      tpu.vector_store_idx %arg14[%select_n3A_599], %broadcast_in_dim3A_0 masked %and3A_593 {add = true} : memref<5056xf32, #tpu.memory_space<vmem>>[vector<16xi32>], vector<16xf32>, vector<16xi1>
      %get3A_600 = arith.index_cast %add3A_427 : i32 to index
      %get3A_601 = arith.constant 48 : index
      %get3A_602 = tpu.vector_load %arg11[%get3A_600, %get3A_601] {strides = array<i32>} : memref<80x64xi32, #tpu.memory_space<vmem>>, vector<16xi32>,
      %ge3A_603 = arith.constant 0 : i32
      %ge3A_604 = vector.broadcast %ge3A_603 : i32 to vector<16xi32>
      %ge3A_605 = arith.cmpi sge, %get3A_602, %ge3A_604 : vector<16xi32>
      %lt3A_606 = arith.constant 5056 : i32
      %lt3A_607 = vector.broadcast %lt3A_606 : i32 to vector<16xi32>
      %lt3A_608 = arith.cmpi slt, %get3A_602, %lt3A_607 : vector<16xi32>
      %and3A_609 = arith.andi %ge3A_605, %lt3A_608 : vector<16xi1>
      %sub3A_610 = arith.constant 0 : i32
      %sub3A_611 = vector.broadcast %sub3A_610 : i32 to vector<16xi32>
      %sub3A_612 = arith.subi %get3A_602, %sub3A_611 : vector<16xi32>
      %jit3A_613 = arith.constant 0 : i32
      %broadcast_in_dim3A_614 = vector.broadcast %jit3A_613 : i32 to vector<16xi32>
      %select_n3A_615 = arith.select %and3A_609, %sub3A_612, %broadcast_in_dim3A_614 : vector<16xi1>, vector<16xi32>
      tpu.vector_store_idx %arg14[%select_n3A_615], %broadcast_in_dim3A_0 masked %and3A_609 {add = true} : memref<5056xf32, #tpu.memory_space<vmem>>[vector<16xi32>], vector<16xf32>, vector<16xi1>
    }
    %scan3A_35 = arith.constant 39 : i32
    %dma_wait3A_36 = arith.constant 79 : i32
    %dma_wait3A_37 = arith.constant 0 : i32
    %dma_wait3A_38 = tpu.memref_slice %arg10[%dma_wait3A_36, %dma_wait3A_37] : memref<80x64xi32, #tpu.memory_space<vmem>> -> memref<1x64xi32, #tpu.memory_space<vmem>>
    %dma_wait3A_39 = tpu.memref_squeeze %dma_wait3A_38 : memref<1x64xi32, #tpu.memory_space<vmem>> -> memref<64xi32, #tpu.memory_space<vmem>>
    %dma_wait3A_40 = arith.constant 0 : i32
    %dma_wait3A_41 = arith.constant 0 : i32
    %dma_wait3A_42 = tpu.memref_slice %arg2[%dma_wait3A_40, %dma_wait3A_41] : memref<10000x128xf32, #tpu.memory_space<hbm>> -> memref<10000x128xf32, #tpu.memory_space<hbm>>
    tpu.wait_indirect_dma semaphore(%arg16 : memref<!tpu.dma_semaphore, #tpu.memory_space<semaphore_mem>>) src(%dma_wait3A_42 : memref<10000x128xf32, #tpu.memory_space<hbm>>) dst(%arg13 : memref<64x128xf32, #tpu.memory_space<vmem>>)
    %dma_wait3A_43 = arith.constant 78 : i32
    %dma_wait3A_44 = arith.constant 0 : i32
    %dma_wait3A_45 = tpu.memref_slice %arg11[%dma_wait3A_43, %dma_wait3A_44] : memref<80x64xi32, #tpu.memory_space<vmem>> -> memref<1x64xi32, #tpu.memory_space<vmem>>
    %dma_wait3A_46 = tpu.memref_squeeze %dma_wait3A_45 : memref<1x64xi32, #tpu.memory_space<vmem>> -> memref<64xi32, #tpu.memory_space<vmem>>
    %dma_wait3A_47 = arith.constant 0 : i32
    %dma_wait3A_48 = arith.constant 0 : i32
    %dma_wait3A_49 = tpu.memref_slice %arg9[%dma_wait3A_47, %dma_wait3A_48] : memref<10112x128xf32, #tpu.memory_space<vmem_shared>> -> memref<10112x128xf32, #tpu.memory_space<vmem_shared>>
    tpu.wait_indirect_dma semaphore(%arg17 : memref<!tpu.dma_semaphore, #tpu.memory_space<semaphore_mem>>) src(%arg12 : memref<64x128xf32, #tpu.memory_space<vmem>>) dst(%dma_wait3A_49 : memref<10112x128xf32, #tpu.memory_space<vmem_shared>>)
    %dma_start3A_50 = arith.constant 79 : i32
    %dma_start3A_51 = arith.constant 0 : i32
    %dma_start3A_52 = tpu.memref_slice %arg11[%dma_start3A_50, %dma_start3A_51] : memref<80x64xi32, #tpu.memory_space<vmem>> -> memref<1x64xi32, #tpu.memory_space<vmem>>
    %dma_start3A_53 = tpu.memref_squeeze %dma_start3A_52 : memref<1x64xi32, #tpu.memory_space<vmem>> -> memref<64xi32, #tpu.memory_space<vmem>>
    %dma_start3A_54 = arith.constant 0 : i32
    %dma_start3A_55 = arith.constant 0 : i32
    %dma_start3A_56 = tpu.memref_slice %arg9[%dma_start3A_54, %dma_start3A_55] : memref<10112x128xf32, #tpu.memory_space<vmem_shared>> -> memref<10112x128xf32, #tpu.memory_space<vmem_shared>>
    tpu.enqueue_indirect_dma source(%arg13 : memref<64x128xf32, #tpu.memory_space<vmem>>) target(%dma_start3A_56 : memref<10112x128xf32, #tpu.memory_space<vmem_shared>>) offsets(%dma_start3A_53 : memref<64xi32, #tpu.memory_space<vmem>>) semaphore(%arg18 : memref<!tpu.dma_semaphore, #tpu.memory_space<semaphore_mem>>) {add = true}
    %get3A = arith.constant 78 : i32
    %get3A_57 = arith.index_cast %get3A : i32 to index
    %get3A_58 = arith.constant 0 : index
    %get3A_59 = tpu.vector_load %arg11[%get3A_57, %get3A_58] {strides = array<i32>} : memref<80x64xi32, #tpu.memory_space<vmem>>, vector<16xi32>,
    %ge3A = arith.constant 0 : i32
    %ge3A_60 = vector.broadcast %ge3A : i32 to vector<16xi32>
    %ge3A_61 = arith.cmpi sge, %get3A_59, %ge3A_60 : vector<16xi32>
    %lt3A = arith.constant 5056 : i32
    %lt3A_62 = vector.broadcast %lt3A : i32 to vector<16xi32>
    %lt3A_63 = arith.cmpi slt, %get3A_59, %lt3A_62 : vector<16xi32>
    %and3A = arith.andi %ge3A_61, %lt3A_63 : vector<16xi1>
    %sub3A = arith.constant 0 : i32
    %sub3A_64 = vector.broadcast %sub3A : i32 to vector<16xi32>
    %sub3A_65 = arith.subi %get3A_59, %sub3A_64 : vector<16xi32>
    %jit3A = arith.constant 0 : i32
    %broadcast_in_dim3A_66 = vector.broadcast %jit3A : i32 to vector<16xi32>
    %select_n3A = arith.select %and3A, %sub3A_65, %broadcast_in_dim3A_66 : vector<16xi1>, vector<16xi32>
    tpu.vector_store_idx %arg14[%select_n3A], %broadcast_in_dim3A_0 masked %and3A {add = true} : memref<5056xf32, #tpu.memory_space<vmem>>[vector<16xi32>], vector<16xf32>, vector<16xi1>
    %get3A_67 = arith.constant 78 : i32
    %get3A_68 = arith.index_cast %get3A_67 : i32 to index
    %get3A_69 = arith.constant 16 : index
    %get3A_70 = tpu.vector_load %arg11[%get3A_68, %get3A_69] {strides = array<i32>} : memref<80x64xi32, #tpu.memory_space<vmem>>, vector<16xi32>,
    %ge3A_71 = arith.constant 0 : i32
    %ge3A_72 = vector.broadcast %ge3A_71 : i32 to vector<16xi32>
    %ge3A_73 = arith.cmpi sge, %get3A_70, %ge3A_72 : vector<16xi32>
    %lt3A_74 = arith.constant 5056 : i32
    %lt3A_75 = vector.broadcast %lt3A_74 : i32 to vector<16xi32>
    %lt3A_76 = arith.cmpi slt, %get3A_70, %lt3A_75 : vector<16xi32>
    %and3A_77 = arith.andi %ge3A_73, %lt3A_76 : vector<16xi1>
    %sub3A_78 = arith.constant 0 : i32
    %sub3A_79 = vector.broadcast %sub3A_78 : i32 to vector<16xi32>
    %sub3A_80 = arith.subi %get3A_70, %sub3A_79 : vector<16xi32>
    %jit3A_81 = arith.constant 0 : i32
    %broadcast_in_dim3A_82 = vector.broadcast %jit3A_81 : i32 to vector<16xi32>
    %select_n3A_83 = arith.select %and3A_77, %sub3A_80, %broadcast_in_dim3A_82 : vector<16xi1>, vector<16xi32>
    tpu.vector_store_idx %arg14[%select_n3A_83], %broadcast_in_dim3A_0 masked %and3A_77 {add = true} : memref<5056xf32, #tpu.memory_space<vmem>>[vector<16xi32>], vector<16xf32>, vector<16xi1>
    %get3A_84 = arith.constant 78 : i32
    %get3A_85 = arith.index_cast %get3A_84 : i32 to index
    %get3A_86 = arith.constant 32 : index
    %get3A_87 = tpu.vector_load %arg11[%get3A_85, %get3A_86] {strides = array<i32>} : memref<80x64xi32, #tpu.memory_space<vmem>>, vector<16xi32>,
    %ge3A_88 = arith.constant 0 : i32
    %ge3A_89 = vector.broadcast %ge3A_88 : i32 to vector<16xi32>
    %ge3A_90 = arith.cmpi sge, %get3A_87, %ge3A_89 : vector<16xi32>
    %lt3A_91 = arith.constant 5056 : i32
    %lt3A_92 = vector.broadcast %lt3A_91 : i32 to vector<16xi32>
    %lt3A_93 = arith.cmpi slt, %get3A_87, %lt3A_92 : vector<16xi32>
    %and3A_94 = arith.andi %ge3A_90, %lt3A_93 : vector<16xi1>
    %sub3A_95 = arith.constant 0 : i32
    %sub3A_96 = vector.broadcast %sub3A_95 : i32 to vector<16xi32>
    %sub3A_97 = arith.subi %get3A_87, %sub3A_96 : vector<16xi32>
    %jit3A_98 = arith.constant 0 : i32
    %broadcast_in_dim3A_99 = vector.broadcast %jit3A_98 : i32 to vector<16xi32>
    %select_n3A_100 = arith.select %and3A_94, %sub3A_97, %broadcast_in_dim3A_99 : vector<16xi1>, vector<16xi32>
    tpu.vector_store_idx %arg14[%select_n3A_100], %broadcast_in_dim3A_0 masked %and3A_94 {add = true} : memref<5056xf32, #tpu.memory_space<vmem>>[vector<16xi32>], vector<16xf32>, vector<16xi1>
    %get3A_101 = arith.constant 78 : i32
    %get3A_102 = arith.index_cast %get3A_101 : i32 to index
    %get3A_103 = arith.constant 48 : index
    %get3A_104 = tpu.vector_load %arg11[%get3A_102, %get3A_103] {strides = array<i32>} : memref<80x64xi32, #tpu.memory_space<vmem>>, vector<16xi32>,
    %ge3A_105 = arith.constant 0 : i32
    %ge3A_106 = vector.broadcast %ge3A_105 : i32 to vector<16xi32>
    %ge3A_107 = arith.cmpi sge, %get3A_104, %ge3A_106 : vector<16xi32>
    %lt3A_108 = arith.constant 5056 : i32
    %lt3A_109 = vector.broadcast %lt3A_108 : i32 to vector<16xi32>
    %lt3A_110 = arith.cmpi slt, %get3A_104, %lt3A_109 : vector<16xi32>
    %and3A_111 = arith.andi %ge3A_107, %lt3A_110 : vector<16xi1>
    %sub3A_112 = arith.constant 0 : i32
    %sub3A_113 = vector.broadcast %sub3A_112 : i32 to vector<16xi32>
    %sub3A_114 = arith.subi %get3A_104, %sub3A_113 : vector<16xi32>
    %jit3A_115 = arith.constant 0 : i32
    %broadcast_in_dim3A_116 = vector.broadcast %jit3A_115 : i32 to vector<16xi32>
    %select_n3A_117 = arith.select %and3A_111, %sub3A_114, %broadcast_in_dim3A_116 : vector<16xi1>, vector<16xi32>
    tpu.vector_store_idx %arg14[%select_n3A_117], %broadcast_in_dim3A_0 masked %and3A_111 {add = true} : memref<5056xf32, #tpu.memory_space<vmem>>[vector<16xi32>], vector<16xf32>, vector<16xi1>
    %get3A_118 = arith.constant 79 : i32
    %get3A_119 = arith.index_cast %get3A_118 : i32 to index
    %get3A_120 = arith.constant 0 : index
    %get3A_121 = tpu.vector_load %arg11[%get3A_119, %get3A_120] {strides = array<i32>} : memref<80x64xi32, #tpu.memory_space<vmem>>, vector<16xi32>,
    %ge3A_122 = arith.constant 0 : i32
    %ge3A_123 = vector.broadcast %ge3A_122 : i32 to vector<16xi32>
    %ge3A_124 = arith.cmpi sge, %get3A_121, %ge3A_123 : vector<16xi32>
    %lt3A_125 = arith.constant 5056 : i32
    %lt3A_126 = vector.broadcast %lt3A_125 : i32 to vector<16xi32>
    %lt3A_127 = arith.cmpi slt, %get3A_121, %lt3A_126 : vector<16xi32>
    %and3A_128 = arith.andi %ge3A_124, %lt3A_127 : vector<16xi1>
    %sub3A_129 = arith.constant 0 : i32
    %sub3A_130 = vector.broadcast %sub3A_129 : i32 to vector<16xi32>
    %sub3A_131 = arith.subi %get3A_121, %sub3A_130 : vector<16xi32>
    %jit3A_132 = arith.constant 0 : i32
    %broadcast_in_dim3A_133 = vector.broadcast %jit3A_132 : i32 to vector<16xi32>
    %select_n3A_134 = arith.select %and3A_128, %sub3A_131, %broadcast_in_dim3A_133 : vector<16xi1>, vector<16xi32>
    tpu.vector_store_idx %arg14[%select_n3A_134], %broadcast_in_dim3A_0 masked %and3A_128 {add = true} : memref<5056xf32, #tpu.memory_space<vmem>>[vector<16xi32>], vector<16xf32>, vector<16xi1>
    %get3A_135 = arith.constant 79 : i32
    %get3A_136 = arith.index_cast %get3A_135 : i32 to index
    %get3A_137 = arith.constant 16 : index
    %get3A_138 = tpu.vector_load %arg11[%get3A_136, %get3A_137] {strides = array<i32>} : memref<80x64xi32, #tpu.memory_space<vmem>>, vector<16xi32>,
    %ge3A_139 = arith.constant 0 : i32
    %ge3A_140 = vector.broadcast %ge3A_139 : i32 to vector<16xi32>
    %ge3A_141 = arith.cmpi sge, %get3A_138, %ge3A_140 : vector<16xi32>
    %lt3A_142 = arith.constant 5056 : i32
    %lt3A_143 = vector.broadcast %lt3A_142 : i32 to vector<16xi32>
    %lt3A_144 = arith.cmpi slt, %get3A_138, %lt3A_143 : vector<16xi32>
    %and3A_145 = arith.andi %ge3A_141, %lt3A_144 : vector<16xi1>
    %sub3A_146 = arith.constant 0 : i32
    %sub3A_147 = vector.broadcast %sub3A_146 : i32 to vector<16xi32>
    %sub3A_148 = arith.subi %get3A_138, %sub3A_147 : vector<16xi32>
    %jit3A_149 = arith.constant 0 : i32
    %broadcast_in_dim3A_150 = vector.broadcast %jit3A_149 : i32 to vector<16xi32>
    %select_n3A_151 = arith.select %and3A_145, %sub3A_148, %broadcast_in_dim3A_150 : vector<16xi1>, vector<16xi32>
    tpu.vector_store_idx %arg14[%select_n3A_151], %broadcast_in_dim3A_0 masked %and3A_145 {add = true} : memref<5056xf32, #tpu.memory_space<vmem>>[vector<16xi32>], vector<16xf32>, vector<16xi1>
    %get3A_152 = arith.constant 79 : i32
    %get3A_153 = arith.index_cast %get3A_152 : i32 to index
    %get3A_154 = arith.constant 32 : index
    %get3A_155 = tpu.vector_load %arg11[%get3A_153, %get3A_154] {strides = array<i32>} : memref<80x64xi32, #tpu.memory_space<vmem>>, vector<16xi32>,
    %ge3A_156 = arith.constant 0 : i32
    %ge3A_157 = vector.broadcast %ge3A_156 : i32 to vector<16xi32>
    %ge3A_158 = arith.cmpi sge, %get3A_155, %ge3A_157 : vector<16xi32>
    %lt3A_159 = arith.constant 5056 : i32
    %lt3A_160 = vector.broadcast %lt3A_159 : i32 to vector<16xi32>
    %lt3A_161 = arith.cmpi slt, %get3A_155, %lt3A_160 : vector<16xi32>
    %and3A_162 = arith.andi %ge3A_158, %lt3A_161 : vector<16xi1>
    %sub3A_163 = arith.constant 0 : i32
    %sub3A_164 = vector.broadcast %sub3A_163 : i32 to vector<16xi32>
    %sub3A_165 = arith.subi %get3A_155, %sub3A_164 : vector<16xi32>
    %jit3A_166 = arith.constant 0 : i32
    %broadcast_in_dim3A_167 = vector.broadcast %jit3A_166 : i32 to vector<16xi32>
    %select_n3A_168 = arith.select %and3A_162, %sub3A_165, %broadcast_in_dim3A_167 : vector<16xi1>, vector<16xi32>
    tpu.vector_store_idx %arg14[%select_n3A_168], %broadcast_in_dim3A_0 masked %and3A_162 {add = true} : memref<5056xf32, #tpu.memory_space<vmem>>[vector<16xi32>], vector<16xf32>, vector<16xi1>
    %get3A_169 = arith.constant 79 : i32
    %get3A_170 = arith.index_cast %get3A_169 : i32 to index
    %get3A_171 = arith.constant 48 : index
    %get3A_172 = tpu.vector_load %arg11[%get3A_170, %get3A_171] {strides = array<i32>} : memref<80x64xi32, #tpu.memory_space<vmem>>, vector<16xi32>,
    %ge3A_173 = arith.constant 0 : i32
    %ge3A_174 = vector.broadcast %ge3A_173 : i32 to vector<16xi32>
    %ge3A_175 = arith.cmpi sge, %get3A_172, %ge3A_174 : vector<16xi32>
    %lt3A_176 = arith.constant 5056 : i32
    %lt3A_177 = vector.broadcast %lt3A_176 : i32 to vector<16xi32>
    %lt3A_178 = arith.cmpi slt, %get3A_172, %lt3A_177 : vector<16xi32>
    %and3A_179 = arith.andi %ge3A_175, %lt3A_178 : vector<16xi1>
    %sub3A_180 = arith.constant 0 : i32
    %sub3A_181 = vector.broadcast %sub3A_180 : i32 to vector<16xi32>
    %sub3A_182 = arith.subi %get3A_172, %sub3A_181 : vector<16xi32>
    %jit3A_183 = arith.constant 0 : i32
    %broadcast_in_dim3A_184 = vector.broadcast %jit3A_183 : i32 to vector<16xi32>
    %select_n3A_185 = arith.select %and3A_179, %sub3A_182, %broadcast_in_dim3A_184 : vector<16xi1>, vector<16xi32>
    tpu.vector_store_idx %arg14[%select_n3A_185], %broadcast_in_dim3A_0 masked %and3A_179 {add = true} : memref<5056xf32, #tpu.memory_space<vmem>>[vector<16xi32>], vector<16xf32>, vector<16xi1>
    %dma_wait3A_186 = arith.constant 79 : i32
    %dma_wait3A_187 = arith.constant 0 : i32
    %dma_wait3A_188 = tpu.memref_slice %arg11[%dma_wait3A_186, %dma_wait3A_187] : memref<80x64xi32, #tpu.memory_space<vmem>> -> memref<1x64xi32, #tpu.memory_space<vmem>>
    %dma_wait3A_189 = tpu.memref_squeeze %dma_wait3A_188 : memref<1x64xi32, #tpu.memory_space<vmem>> -> memref<64xi32, #tpu.memory_space<vmem>>
    %dma_wait3A_190 = arith.constant 0 : i32
    %dma_wait3A_191 = arith.constant 0 : i32
    %dma_wait3A_192 = tpu.memref_slice %arg9[%dma_wait3A_190, %dma_wait3A_191] : memref<10112x128xf32, #tpu.memory_space<vmem_shared>> -> memref<10112x128xf32, #tpu.memory_space<vmem_shared>>
    tpu.wait_indirect_dma semaphore(%arg18 : memref<!tpu.dma_semaphore, #tpu.memory_space<semaphore_mem>>) src(%arg13 : memref<64x128xf32, #tpu.memory_space<vmem>>) dst(%dma_wait3A_192 : memref<10112x128xf32, #tpu.memory_space<vmem_shared>>)
    %run_scoped3A = arith.constant 0 : i32
    "tpu.region"() ({
      %run_scoped3A_423 = tpu.sem_alloc : memref<!tpu.dma_semaphore, #tpu.memory_space<semaphore_mem>>
      %dma_start3A_424 = arith.constant 0 : i32
      %dma_start3A_425 = tpu.memref_slice %arg8[%add3A_2, %arg1, %run_scoped3A, %dma_start3A_424] : memref<4x16x2x5056xf32, #tpu.memory_space<hbm>> -> memref<1x1x1x5056xf32, #tpu.memory_space<hbm>>
      %dma_start3A_426 = tpu.memref_squeeze %dma_start3A_425 : memref<1x1x1x5056xf32, #tpu.memory_space<hbm>> -> memref<5056xf32, #tpu.memory_space<hbm>>
      %dma_start3A_427 = arith.constant 0 : i32
      %dma_start3A_428 = tpu.memref_slice %arg8[%add3A_2, %arg1, %run_scoped3A, %dma_start3A_427] : memref<4x16x2x5056xf32, #tpu.memory_space<hbm>> -> memref<1x1x1x5056xf32, #tpu.memory_space<hbm>>
      %dma_start3A_429 = tpu.memref_squeeze %dma_start3A_428 : memref<1x1x1x5056xf32, #tpu.memory_space<hbm>> -> memref<5056xf32, #tpu.memory_space<hbm>>
      tpu.enqueue_dma source(%arg14 : memref<5056xf32, #tpu.memory_space<vmem>>) target(%dma_start3A_429 : memref<5056xf32, #tpu.memory_space<hbm>>) target_semaphore(%run_scoped3A_423 : memref<!tpu.dma_semaphore, #tpu.memory_space<semaphore_mem>>)
      %dma_wait3A_430 = arith.constant 0 : i32
      %dma_wait3A_431 = tpu.memref_slice %arg8[%add3A_2, %arg1, %run_scoped3A, %dma_wait3A_430] : memref<4x16x2x5056xf32, #tpu.memory_space<hbm>> -> memref<1x1x1x5056xf32, #tpu.memory_space<hbm>>
      %dma_wait3A_432 = tpu.memref_squeeze %dma_wait3A_431 : memref<1x1x1x5056xf32, #tpu.memory_space<hbm>> -> memref<5056xf32, #tpu.memory_space<hbm>>
      %dma_wait3A_433 = arith.constant 0 : i32
      %dma_wait3A_434 = tpu.memref_slice %arg8[%add3A_2, %arg1, %run_scoped3A, %dma_wait3A_433] : memref<4x16x2x5056xf32, #tpu.memory_space<hbm>> -> memref<1x1x1x5056xf32, #tpu.memory_space<hbm>>
      %dma_wait3A_435 = tpu.memref_squeeze %dma_wait3A_434 : memref<1x1x1x5056xf32, #tpu.memory_space<hbm>> -> memref<5056xf32, #tpu.memory_space<hbm>>
      tpu.wait_dma2 semaphore(%run_scoped3A_423 : memref<!tpu.dma_semaphore, #tpu.memory_space<semaphore_mem>>) src(%arg14 : memref<5056xf32, #tpu.memory_space<vmem>>) dst(%dma_wait3A_435 : memref<5056xf32, #tpu.memory_space<hbm>>)
      tpu.yield
    }) : () -> ()
    "tpu.region"() ({
      %run_scoped3A_423 = tpu.sem_alloc : memref<!tpu.dma_semaphore, #tpu.memory_space<semaphore_mem>>
      tpu.enqueue_dma source(%arg6 : memref<5056xf32, #tpu.memory_space<hbm>>) target(%arg14 : memref<5056xf32, #tpu.memory_space<vmem>>) target_semaphore(%run_scoped3A_423 : memref<!tpu.dma_semaphore, #tpu.memory_space<semaphore_mem>>)
      tpu.wait_dma2 semaphore(%run_scoped3A_423 : memref<!tpu.dma_semaphore, #tpu.memory_space<semaphore_mem>>) src(%arg6 : memref<5056xf32, #tpu.memory_space<hbm>>) dst(%arg14 : memref<5056xf32, #tpu.memory_space<vmem>>)
      tpu.yield
    }) : () -> ()
    %scan3A_193 = arith.constant 0 : i32
    %scan3A_194 = arith.constant 0 : i32
    %scan3A_195 = arith.constant 80 : i32
    %scan3A_196 = arith.addi %scan3A_194, %scan3A_195 : i32
    %scan3A_197 = arith.constant 1 : i32
    scf.for %scan3A_423 = %scan3A_194 to %scan3A_196 step %scan3A_197  : i32 {
      %get3A_424 = arith.index_cast %scan3A_423 : i32 to index
      %get3A_425 = arith.constant 0 : index
      %get3A_426 = tpu.vector_load %arg11[%get3A_424, %get3A_425] {strides = array<i32>} : memref<80x64xi32, #tpu.memory_space<vmem>>, vector<16xi32>,
      %ge3A_427 = arith.constant 5056 : i32
      %ge3A_428 = vector.broadcast %ge3A_427 : i32 to vector<16xi32>
      %ge3A_429 = arith.cmpi sge, %get3A_426, %ge3A_428 : vector<16xi32>
      %lt3A_430 = arith.constant 10112 : i32
      %lt3A_431 = vector.broadcast %lt3A_430 : i32 to vector<16xi32>
      %lt3A_432 = arith.cmpi slt, %get3A_426, %lt3A_431 : vector<16xi32>
      %and3A_433 = arith.andi %ge3A_429, %lt3A_432 : vector<16xi1>
      %sub3A_434 = arith.constant 5056 : i32
      %sub3A_435 = vector.broadcast %sub3A_434 : i32 to vector<16xi32>
      %sub3A_436 = arith.subi %get3A_426, %sub3A_435 : vector<16xi32>
      %jit3A_437 = arith.constant 0 : i32
      %broadcast_in_dim3A_438 = vector.broadcast %jit3A_437 : i32 to vector<16xi32>
      %select_n3A_439 = arith.select %and3A_433, %sub3A_436, %broadcast_in_dim3A_438 : vector<16xi1>, vector<16xi32>
      tpu.vector_store_idx %arg14[%select_n3A_439], %broadcast_in_dim3A_0 masked %and3A_433 {add = true} : memref<5056xf32, #tpu.memory_space<vmem>>[vector<16xi32>], vector<16xf32>, vector<16xi1>
      %get3A_440 = arith.index_cast %scan3A_423 : i32 to index
      %get3A_441 = arith.constant 16 : index
      %get3A_442 = tpu.vector_load %arg11[%get3A_440, %get3A_441] {strides = array<i32>} : memref<80x64xi32, #tpu.memory_space<vmem>>, vector<16xi32>,
      %ge3A_443 = arith.constant 5056 : i32
      %ge3A_444 = vector.broadcast %ge3A_443 : i32 to vector<16xi32>
      %ge3A_445 = arith.cmpi sge, %get3A_442, %ge3A_444 : vector<16xi32>
      %lt3A_446 = arith.constant 10112 : i32
      %lt3A_447 = vector.broadcast %lt3A_446 : i32 to vector<16xi32>
      %lt3A_448 = arith.cmpi slt, %get3A_442, %lt3A_447 : vector<16xi32>
      %and3A_449 = arith.andi %ge3A_445, %lt3A_448 : vector<16xi1>
      %sub3A_450 = arith.constant 5056 : i32
      %sub3A_451 = vector.broadcast %sub3A_450 : i32 to vector<16xi32>
      %sub3A_452 = arith.subi %get3A_442, %sub3A_451 : vector<16xi32>
      %jit3A_453 = arith.constant 0 : i32
      %broadcast_in_dim3A_454 = vector.broadcast %jit3A_453 : i32 to vector<16xi32>
      %select_n3A_455 = arith.select %and3A_449, %sub3A_452, %broadcast_in_dim3A_454 : vector<16xi1>, vector<16xi32>
      tpu.vector_store_idx %arg14[%select_n3A_455], %broadcast_in_dim3A_0 masked %and3A_449 {add = true} : memref<5056xf32, #tpu.memory_space<vmem>>[vector<16xi32>], vector<16xf32>, vector<16xi1>
      %get3A_456 = arith.index_cast %scan3A_423 : i32 to index
      %get3A_457 = arith.constant 32 : index
      %get3A_458 = tpu.vector_load %arg11[%get3A_456, %get3A_457] {strides = array<i32>} : memref<80x64xi32, #tpu.memory_space<vmem>>, vector<16xi32>,
      %ge3A_459 = arith.constant 5056 : i32
      %ge3A_460 = vector.broadcast %ge3A_459 : i32 to vector<16xi32>
      %ge3A_461 = arith.cmpi sge, %get3A_458, %ge3A_460 : vector<16xi32>
      %lt3A_462 = arith.constant 10112 : i32
      %lt3A_463 = vector.broadcast %lt3A_462 : i32 to vector<16xi32>
      %lt3A_464 = arith.cmpi slt, %get3A_458, %lt3A_463 : vector<16xi32>
      %and3A_465 = arith.andi %ge3A_461, %lt3A_464 : vector<16xi1>
      %sub3A_466 = arith.constant 5056 : i32
      %sub3A_467 = vector.broadcast %sub3A_466 : i32 to vector<16xi32>
      %sub3A_468 = arith.subi %get3A_458, %sub3A_467 : vector<16xi32>
      %jit3A_469 = arith.constant 0 : i32
      %broadcast_in_dim3A_470 = vector.broadcast %jit3A_469 : i32 to vector<16xi32>
      %select_n3A_471 = arith.select %and3A_465, %sub3A_468, %broadcast_in_dim3A_470 : vector<16xi1>, vector<16xi32>
      tpu.vector_store_idx %arg14[%select_n3A_471], %broadcast_in_dim3A_0 masked %and3A_465 {add = true} : memref<5056xf32, #tpu.memory_space<vmem>>[vector<16xi32>], vector<16xf32>, vector<16xi1>
      %get3A_472 = arith.index_cast %scan3A_423 : i32 to index
      %get3A_473 = arith.constant 48 : index
      %get3A_474 = tpu.vector_load %arg11[%get3A_472, %get3A_473] {strides = array<i32>} : memref<80x64xi32, #tpu.memory_space<vmem>>, vector<16xi32>,
      %ge3A_475 = arith.constant 5056 : i32
      %ge3A_476 = vector.broadcast %ge3A_475 : i32 to vector<16xi32>
      %ge3A_477 = arith.cmpi sge, %get3A_474, %ge3A_476 : vector<16xi32>
      %lt3A_478 = arith.constant 10112 : i32
      %lt3A_479 = vector.broadcast %lt3A_478 : i32 to vector<16xi32>
      %lt3A_480 = arith.cmpi slt, %get3A_474, %lt3A_479 : vector<16xi32>
      %and3A_481 = arith.andi %ge3A_477, %lt3A_480 : vector<16xi1>
      %sub3A_482 = arith.constant 5056 : i32
      %sub3A_483 = vector.broadcast %sub3A_482 : i32 to vector<16xi32>
      %sub3A_484 = arith.subi %get3A_474, %sub3A_483 : vector<16xi32>
      %jit3A_485 = arith.constant 0 : i32
      %broadcast_in_dim3A_486 = vector.broadcast %jit3A_485 : i32 to vector<16xi32>
      %select_n3A_487 = arith.select %and3A_481, %sub3A_484, %broadcast_in_dim3A_486 : vector<16xi1>, vector<16xi32>
      tpu.vector_store_idx %arg14[%select_n3A_487], %broadcast_in_dim3A_0 masked %and3A_481 {add = true} : memref<5056xf32, #tpu.memory_space<vmem>>[vector<16xi32>], vector<16xf32>, vector<16xi1>
    }
    %scan3A_198 = arith.constant 80 : i32
    %run_scoped3A_199 = arith.constant 1 : i32
    "tpu.region"() ({
      %run_scoped3A_423 = tpu.sem_alloc : memref<!tpu.dma_semaphore, #tpu.memory_space<semaphore_mem>>
      %dma_start3A_424 = arith.constant 0 : i32
      %dma_start3A_425 = tpu.memref_slice %arg8[%add3A_2, %arg1, %run_scoped3A_199, %dma_start3A_424] : memref<4x16x2x5056xf32, #tpu.memory_space<hbm>> -> memref<1x1x1x5056xf32, #tpu.memory_space<hbm>>
      %dma_start3A_426 = tpu.memref_squeeze %dma_start3A_425 : memref<1x1x1x5056xf32, #tpu.memory_space<hbm>> -> memref<5056xf32, #tpu.memory_space<hbm>>
      %dma_start3A_427 = arith.constant 0 : i32
      %dma_start3A_428 = tpu.memref_slice %arg8[%add3A_2, %arg1, %run_scoped3A_199, %dma_start3A_427] : memref<4x16x2x5056xf32, #tpu.memory_space<hbm>> -> memref<1x1x1x5056xf32, #tpu.memory_space<hbm>>
      %dma_start3A_429 = tpu.memref_squeeze %dma_start3A_428 : memref<1x1x1x5056xf32, #tpu.memory_space<hbm>> -> memref<5056xf32, #tpu.memory_space<hbm>>
      tpu.enqueue_dma source(%arg14 : memref<5056xf32, #tpu.memory_space<vmem>>) target(%dma_start3A_429 : memref<5056xf32, #tpu.memory_space<hbm>>) target_semaphore(%run_scoped3A_423 : memref<!tpu.dma_semaphore, #tpu.memory_space<semaphore_mem>>)
      %dma_wait3A_430 = arith.constant 0 : i32
      %dma_wait3A_431 = tpu.memref_slice %arg8[%add3A_2, %arg1, %run_scoped3A_199, %dma_wait3A_430] : memref<4x16x2x5056xf32, #tpu.memory_space<hbm>> -> memref<1x1x1x5056xf32, #tpu.memory_space<hbm>>
      %dma_wait3A_432 = tpu.memref_squeeze %dma_wait3A_431 : memref<1x1x1x5056xf32, #tpu.memory_space<hbm>> -> memref<5056xf32, #tpu.memory_space<hbm>>
      %dma_wait3A_433 = arith.constant 0 : i32
      %dma_wait3A_434 = tpu.memref_slice %arg8[%add3A_2, %arg1, %run_scoped3A_199, %dma_wait3A_433] : memref<4x16x2x5056xf32, #tpu.memory_space<hbm>> -> memref<1x1x1x5056xf32, #tpu.memory_space<hbm>>
      %dma_wait3A_435 = tpu.memref_squeeze %dma_wait3A_434 : memref<1x1x1x5056xf32, #tpu.memory_space<hbm>> -> memref<5056xf32, #tpu.memory_space<hbm>>
      tpu.wait_dma2 semaphore(%run_scoped3A_423 : memref<!tpu.dma_semaphore, #tpu.memory_space<semaphore_mem>>) src(%arg14 : memref<5056xf32, #tpu.memory_space<vmem>>) dst(%dma_wait3A_435 : memref<5056xf32, #tpu.memory_space<hbm>>)
      tpu.yield
    }) : () -> ()
    %barrier3A_200 = arith.constant 0 : index
    tpu.barrier barrier_id(%barrier3A_200)
    %mul3A_201 = arith.constant 632 : i32
    %mul3A_202 = arith.muli %arg1, %mul3A_201 : i32
    %mul3A_203 = arith.constant 632 : i32
    %mul3A_204 = arith.muli %arg1, %mul3A_203 : i32
    "tpu.region"() ({
      %run_scoped3A_423 = tpu.sem_alloc : memref<!tpu.dma_semaphore, #tpu.memory_space<semaphore_mem>>
      %dma_start3A_424 = arith.constant 0 : i32
      %dma_start3A_425 = tpu.memref_slice %arg7[%add3A_2, %mul3A_204, %dma_start3A_424] : memref<4x10112x128xf32, #tpu.memory_space<hbm>> -> memref<1x632x128xf32, #tpu.memory_space<hbm>>
      %dma_start3A_426 = tpu.memref_squeeze %dma_start3A_425 : memref<1x632x128xf32, #tpu.memory_space<hbm>> -> memref<632x128xf32, #tpu.memory_space<hbm>>
      %dma_start3A_427 = arith.constant 0 : i32
      %dma_start3A_428 = tpu.memref_slice %arg9[%mul3A_202, %dma_start3A_427] : memref<10112x128xf32, #tpu.memory_space<vmem_shared>> -> memref<632x128xf32, #tpu.memory_space<vmem_shared>>
      tpu.enqueue_dma source(%dma_start3A_428 : memref<632x128xf32, #tpu.memory_space<vmem_shared>>) target(%dma_start3A_426 : memref<632x128xf32, #tpu.memory_space<hbm>>) target_semaphore(%run_scoped3A_423 : memref<!tpu.dma_semaphore, #tpu.memory_space<semaphore_mem>>)
      %dma_wait3A_429 = arith.constant 0 : i32
      %dma_wait3A_430 = tpu.memref_slice %arg7[%add3A_2, %mul3A_204, %dma_wait3A_429] : memref<4x10112x128xf32, #tpu.memory_space<hbm>> -> memref<1x632x128xf32, #tpu.memory_space<hbm>>
      %dma_wait3A_431 = tpu.memref_squeeze %dma_wait3A_430 : memref<1x632x128xf32, #tpu.memory_space<hbm>> -> memref<632x128xf32, #tpu.memory_space<hbm>>
      %dma_wait3A_432 = arith.constant 0 : i32
      %dma_wait3A_433 = tpu.memref_slice %arg9[%mul3A_202, %dma_wait3A_432] : memref<10112x128xf32, #tpu.memory_space<vmem_shared>> -> memref<632x128xf32, #tpu.memory_space<vmem_shared>>
      tpu.wait_dma2 semaphore(%run_scoped3A_423 : memref<!tpu.dma_semaphore, #tpu.memory_space<semaphore_mem>>) src(%dma_wait3A_433 : memref<632x128xf32, #tpu.memory_space<vmem_shared>>) dst(%dma_wait3A_431 : memref<632x128xf32, #tpu.memory_space<hbm>>)
      tpu.yield
    }) : () -> ()
    %mul3A_205 = arith.constant 2 : i32
    %mul3A_206 = arith.muli %mul3A_205, %arg0 : i32
    %add3A_207 = arith.constant 1 : i32
    %add3A_208 = arith.addi %mul3A_206, %add3A_207 : i32
    %mul3A_209 = arith.constant 632 : i32
    %mul3A_210 = arith.muli %arg1, %mul3A_209 : i32
    "tpu.region"() ({
      %run_scoped3A_423 = tpu.sem_alloc : memref<!tpu.dma_semaphore, #tpu.memory_space<semaphore_mem>>
      %dma_start3A_424 = arith.constant 0 : i32
      %dma_start3A_425 = tpu.memref_slice %arg9[%mul3A_210, %dma_start3A_424] : memref<10112x128xf32, #tpu.memory_space<vmem_shared>> -> memref<632x128xf32, #tpu.memory_space<vmem_shared>>
      tpu.enqueue_dma source(%arg5 : memref<632x128xf32, #tpu.memory_space<hbm>>) target(%dma_start3A_425 : memref<632x128xf32, #tpu.memory_space<vmem_shared>>) target_semaphore(%run_scoped3A_423 : memref<!tpu.dma_semaphore, #tpu.memory_space<semaphore_mem>>)
      %dma_wait3A_426 = arith.constant 0 : i32
      %dma_wait3A_427 = tpu.memref_slice %arg9[%mul3A_210, %dma_wait3A_426] : memref<10112x128xf32, #tpu.memory_space<vmem_shared>> -> memref<632x128xf32, #tpu.memory_space<vmem_shared>>
      tpu.wait_dma2 semaphore(%run_scoped3A_423 : memref<!tpu.dma_semaphore, #tpu.memory_space<semaphore_mem>>) src(%arg5 : memref<632x128xf32, #tpu.memory_space<hbm>>) dst(%dma_wait3A_427 : memref<632x128xf32, #tpu.memory_space<vmem_shared>>)
      tpu.yield
    }) : () -> ()
    "tpu.region"() ({
      %run_scoped3A_423 = tpu.sem_alloc : memref<!tpu.dma_semaphore, #tpu.memory_space<semaphore_mem>>
      %dma_start3A_424 = arith.constant 0 : i32
      %dma_start3A_425 = arith.constant 0 : i32
      %dma_start3A_426 = tpu.memref_slice %arg3[%add3A_208, %arg1, %dma_start3A_424, %dma_start3A_425] : memref<4x16x80x64xi32, #tpu.memory_space<hbm>> -> memref<1x1x80x64xi32, #tpu.memory_space<hbm>>
      %dma_start3A_427 = tpu.memref_squeeze %dma_start3A_426 : memref<1x1x80x64xi32, #tpu.memory_space<hbm>> -> memref<80x64xi32, #tpu.memory_space<hbm>>
      %dma_start3A_428 = arith.constant 0 : i32
      %dma_start3A_429 = arith.constant 0 : i32
      %dma_start3A_430 = tpu.memref_slice %arg3[%add3A_208, %arg1, %dma_start3A_428, %dma_start3A_429] : memref<4x16x80x64xi32, #tpu.memory_space<hbm>> -> memref<1x1x80x64xi32, #tpu.memory_space<hbm>>
      %dma_start3A_431 = tpu.memref_squeeze %dma_start3A_430 : memref<1x1x80x64xi32, #tpu.memory_space<hbm>> -> memref<80x64xi32, #tpu.memory_space<hbm>>
      tpu.enqueue_dma source(%dma_start3A_431 : memref<80x64xi32, #tpu.memory_space<hbm>>) target(%arg10 : memref<80x64xi32, #tpu.memory_space<vmem>>) target_semaphore(%run_scoped3A_423 : memref<!tpu.dma_semaphore, #tpu.memory_space<semaphore_mem>>)
      %dma_wait3A_432 = arith.constant 0 : i32
      %dma_wait3A_433 = arith.constant 0 : i32
      %dma_wait3A_434 = tpu.memref_slice %arg3[%add3A_208, %arg1, %dma_wait3A_432, %dma_wait3A_433] : memref<4x16x80x64xi32, #tpu.memory_space<hbm>> -> memref<1x1x80x64xi32, #tpu.memory_space<hbm>>
      %dma_wait3A_435 = tpu.memref_squeeze %dma_wait3A_434 : memref<1x1x80x64xi32, #tpu.memory_space<hbm>> -> memref<80x64xi32, #tpu.memory_space<hbm>>
      %dma_wait3A_436 = arith.constant 0 : i32
      %dma_wait3A_437 = arith.constant 0 : i32
      %dma_wait3A_438 = tpu.memref_slice %arg3[%add3A_208, %arg1, %dma_wait3A_436, %dma_wait3A_437] : memref<4x16x80x64xi32, #tpu.memory_space<hbm>> -> memref<1x1x80x64xi32, #tpu.memory_space<hbm>>
      %dma_wait3A_439 = tpu.memref_squeeze %dma_wait3A_438 : memref<1x1x80x64xi32, #tpu.memory_space<hbm>> -> memref<80x64xi32, #tpu.memory_space<hbm>>
      tpu.wait_dma2 semaphore(%run_scoped3A_423 : memref<!tpu.dma_semaphore, #tpu.memory_space<semaphore_mem>>) src(%dma_wait3A_439 : memref<80x64xi32, #tpu.memory_space<hbm>>) dst(%arg10 : memref<80x64xi32, #tpu.memory_space<vmem>>)
      tpu.yield
    }) : () -> ()
    "tpu.region"() ({
      %run_scoped3A_423 = tpu.sem_alloc : memref<!tpu.dma_semaphore, #tpu.memory_space<semaphore_mem>>
      %dma_start3A_424 = arith.constant 0 : i32
      %dma_start3A_425 = arith.constant 0 : i32
      %dma_start3A_426 = tpu.memref_slice %arg4[%add3A_208, %arg1, %dma_start3A_424, %dma_start3A_425] : memref<4x16x80x64xi32, #tpu.memory_space<hbm>> -> memref<1x1x80x64xi32, #tpu.memory_space<hbm>>
      %dma_start3A_427 = tpu.memref_squeeze %dma_start3A_426 : memref<1x1x80x64xi32, #tpu.memory_space<hbm>> -> memref<80x64xi32, #tpu.memory_space<hbm>>
      %dma_start3A_428 = arith.constant 0 : i32
      %dma_start3A_429 = arith.constant 0 : i32
      %dma_start3A_430 = tpu.memref_slice %arg4[%add3A_208, %arg1, %dma_start3A_428, %dma_start3A_429] : memref<4x16x80x64xi32, #tpu.memory_space<hbm>> -> memref<1x1x80x64xi32, #tpu.memory_space<hbm>>
      %dma_start3A_431 = tpu.memref_squeeze %dma_start3A_430 : memref<1x1x80x64xi32, #tpu.memory_space<hbm>> -> memref<80x64xi32, #tpu.memory_space<hbm>>
      tpu.enqueue_dma source(%dma_start3A_431 : memref<80x64xi32, #tpu.memory_space<hbm>>) target(%arg11 : memref<80x64xi32, #tpu.memory_space<vmem>>) target_semaphore(%run_scoped3A_423 : memref<!tpu.dma_semaphore, #tpu.memory_space<semaphore_mem>>)
      %dma_wait3A_432 = arith.constant 0 : i32
      %dma_wait3A_433 = arith.constant 0 : i32
      %dma_wait3A_434 = tpu.memref_slice %arg4[%add3A_208, %arg1, %dma_wait3A_432, %dma_wait3A_433] : memref<4x16x80x64xi32, #tpu.memory_space<hbm>> -> memref<1x1x80x64xi32, #tpu.memory_space<hbm>>
      %dma_wait3A_435 = tpu.memref_squeeze %dma_wait3A_434 : memref<1x1x80x64xi32, #tpu.memory_space<hbm>> -> memref<80x64xi32, #tpu.memory_space<hbm>>
      %dma_wait3A_436 = arith.constant 0 : i32
      %dma_wait3A_437 = arith.constant 0 : i32
      %dma_wait3A_438 = tpu.memref_slice %arg4[%add3A_208, %arg1, %dma_wait3A_436, %dma_wait3A_437] : memref<4x16x80x64xi32, #tpu.memory_space<hbm>> -> memref<1x1x80x64xi32, #tpu.memory_space<hbm>>
      %dma_wait3A_439 = tpu.memref_squeeze %dma_wait3A_438 : memref<1x1x80x64xi32, #tpu.memory_space<hbm>> -> memref<80x64xi32, #tpu.memory_space<hbm>>
      tpu.wait_dma2 semaphore(%run_scoped3A_423 : memref<!tpu.dma_semaphore, #tpu.memory_space<semaphore_mem>>) src(%dma_wait3A_439 : memref<80x64xi32, #tpu.memory_space<hbm>>) dst(%arg11 : memref<80x64xi32, #tpu.memory_space<vmem>>)
      tpu.yield
    }) : () -> ()
    "tpu.region"() ({
      %run_scoped3A_423 = tpu.sem_alloc : memref<!tpu.dma_semaphore, #tpu.memory_space<semaphore_mem>>
      tpu.enqueue_dma source(%arg6 : memref<5056xf32, #tpu.memory_space<hbm>>) target(%arg14 : memref<5056xf32, #tpu.memory_space<vmem>>) target_semaphore(%run_scoped3A_423 : memref<!tpu.dma_semaphore, #tpu.memory_space<semaphore_mem>>)
      tpu.wait_dma2 semaphore(%run_scoped3A_423 : memref<!tpu.dma_semaphore, #tpu.memory_space<semaphore_mem>>) src(%arg6 : memref<5056xf32, #tpu.memory_space<hbm>>) dst(%arg14 : memref<5056xf32, #tpu.memory_space<vmem>>)
      tpu.yield
    }) : () -> ()
    %barrier3A_211 = arith.constant 0 : index
    tpu.barrier barrier_id(%barrier3A_211)
    %dma_start3A_212 = arith.constant 0 : i32
    %dma_start3A_213 = arith.constant 0 : i32
    %dma_start3A_214 = tpu.memref_slice %arg10[%dma_start3A_212, %dma_start3A_213] : memref<80x64xi32, #tpu.memory_space<vmem>> -> memref<1x64xi32, #tpu.memory_space<vmem>>
    %dma_start3A_215 = tpu.memref_squeeze %dma_start3A_214 : memref<1x64xi32, #tpu.memory_space<vmem>> -> memref<64xi32, #tpu.memory_space<vmem>>
    %dma_start3A_216 = arith.constant 0 : i32
    %dma_start3A_217 = arith.constant 0 : i32
    %dma_start3A_218 = tpu.memref_slice %arg2[%dma_start3A_216, %dma_start3A_217] : memref<10000x128xf32, #tpu.memory_space<hbm>> -> memref<10000x128xf32, #tpu.memory_space<hbm>>
    tpu.enqueue_indirect_dma source(%dma_start3A_218 : memref<10000x128xf32, #tpu.memory_space<hbm>>) target(%arg12 : memref<64x128xf32, #tpu.memory_space<vmem>>) offsets(%dma_start3A_215 : memref<64xi32, #tpu.memory_space<vmem>>) semaphore(%arg15 : memref<!tpu.dma_semaphore, #tpu.memory_space<semaphore_mem>>)
    %dma_start3A_219 = arith.constant 1 : i32
    %dma_start3A_220 = arith.constant 0 : i32
    %dma_start3A_221 = tpu.memref_slice %arg10[%dma_start3A_219, %dma_start3A_220] : memref<80x64xi32, #tpu.memory_space<vmem>> -> memref<1x64xi32, #tpu.memory_space<vmem>>
    %dma_start3A_222 = tpu.memref_squeeze %dma_start3A_221 : memref<1x64xi32, #tpu.memory_space<vmem>> -> memref<64xi32, #tpu.memory_space<vmem>>
    %dma_start3A_223 = arith.constant 0 : i32
    %dma_start3A_224 = arith.constant 0 : i32
    %dma_start3A_225 = tpu.memref_slice %arg2[%dma_start3A_223, %dma_start3A_224] : memref<10000x128xf32, #tpu.memory_space<hbm>> -> memref<10000x128xf32, #tpu.memory_space<hbm>>
    tpu.enqueue_indirect_dma source(%dma_start3A_225 : memref<10000x128xf32, #tpu.memory_space<hbm>>) target(%arg13 : memref<64x128xf32, #tpu.memory_space<vmem>>) offsets(%dma_start3A_222 : memref<64xi32, #tpu.memory_space<vmem>>) semaphore(%arg16 : memref<!tpu.dma_semaphore, #tpu.memory_space<semaphore_mem>>)
    %dma_wait3A_226 = arith.constant 0 : i32
    %dma_wait3A_227 = arith.constant 0 : i32
    %dma_wait3A_228 = tpu.memref_slice %arg10[%dma_wait3A_226, %dma_wait3A_227] : memref<80x64xi32, #tpu.memory_space<vmem>> -> memref<1x64xi32, #tpu.memory_space<vmem>>
    %dma_wait3A_229 = tpu.memref_squeeze %dma_wait3A_228 : memref<1x64xi32, #tpu.memory_space<vmem>> -> memref<64xi32, #tpu.memory_space<vmem>>
    %dma_wait3A_230 = arith.constant 0 : i32
    %dma_wait3A_231 = arith.constant 0 : i32
    %dma_wait3A_232 = tpu.memref_slice %arg2[%dma_wait3A_230, %dma_wait3A_231] : memref<10000x128xf32, #tpu.memory_space<hbm>> -> memref<10000x128xf32, #tpu.memory_space<hbm>>
    tpu.wait_indirect_dma semaphore(%arg15 : memref<!tpu.dma_semaphore, #tpu.memory_space<semaphore_mem>>) src(%dma_wait3A_232 : memref<10000x128xf32, #tpu.memory_space<hbm>>) dst(%arg12 : memref<64x128xf32, #tpu.memory_space<vmem>>)
    %dma_start3A_233 = arith.constant 0 : i32
    %dma_start3A_234 = arith.constant 0 : i32
    %dma_start3A_235 = tpu.memref_slice %arg11[%dma_start3A_233, %dma_start3A_234] : memref<80x64xi32, #tpu.memory_space<vmem>> -> memref<1x64xi32, #tpu.memory_space<vmem>>
    %dma_start3A_236 = tpu.memref_squeeze %dma_start3A_235 : memref<1x64xi32, #tpu.memory_space<vmem>> -> memref<64xi32, #tpu.memory_space<vmem>>
    %dma_start3A_237 = arith.constant 0 : i32
    %dma_start3A_238 = arith.constant 0 : i32
    %dma_start3A_239 = tpu.memref_slice %arg9[%dma_start3A_237, %dma_start3A_238] : memref<10112x128xf32, #tpu.memory_space<vmem_shared>> -> memref<10112x128xf32, #tpu.memory_space<vmem_shared>>
    tpu.enqueue_indirect_dma source(%arg12 : memref<64x128xf32, #tpu.memory_space<vmem>>) target(%dma_start3A_239 : memref<10112x128xf32, #tpu.memory_space<vmem_shared>>) offsets(%dma_start3A_236 : memref<64xi32, #tpu.memory_space<vmem>>) semaphore(%arg17 : memref<!tpu.dma_semaphore, #tpu.memory_space<semaphore_mem>>) {add = true}
    %scan3A_240 = arith.constant 0 : i32
    %scan3A_241 = arith.constant 0 : i32
    %scan3A_242 = arith.constant 39 : i32
    %scan3A_243 = arith.addi %scan3A_241, %scan3A_242 : i32
    %scan3A_244 = arith.constant 1 : i32
    scf.for %scan3A_423 = %scan3A_241 to %scan3A_243 step %scan3A_244  : i32 {
      %mul3A_424 = arith.constant 2 : i32
      %mul3A_425 = arith.muli %mul3A_424, %scan3A_423 : i32
      %add3A_426 = arith.constant 1 : i32
      %add3A_427 = arith.addi %mul3A_425, %add3A_426 : i32
      %dma_wait3A_428 = arith.constant 0 : i32
      %dma_wait3A_429 = tpu.memref_slice %arg10[%add3A_427, %dma_wait3A_428] : memref<80x64xi32, #tpu.memory_space<vmem>> -> memref<1x64xi32, #tpu.memory_space<vmem>>
      %dma_wait3A_430 = tpu.memref_squeeze %dma_wait3A_429 : memref<1x64xi32, #tpu.memory_space<vmem>> -> memref<64xi32, #tpu.memory_space<vmem>>
      %dma_wait3A_431 = arith.constant 0 : i32
      %dma_wait3A_432 = arith.constant 0 : i32
      %dma_wait3A_433 = tpu.memref_slice %arg2[%dma_wait3A_431, %dma_wait3A_432] : memref<10000x128xf32, #tpu.memory_space<hbm>> -> memref<10000x128xf32, #tpu.memory_space<hbm>>
      tpu.wait_indirect_dma semaphore(%arg16 : memref<!tpu.dma_semaphore, #tpu.memory_space<semaphore_mem>>) src(%dma_wait3A_433 : memref<10000x128xf32, #tpu.memory_space<hbm>>) dst(%arg13 : memref<64x128xf32, #tpu.memory_space<vmem>>)
      %sub3A_434 = arith.constant 1 : i32
      %sub3A_435 = arith.subi %add3A_427, %sub3A_434 : i32
      %dma_wait3A_436 = arith.constant 0 : i32
      %dma_wait3A_437 = tpu.memref_slice %arg11[%sub3A_435, %dma_wait3A_436] : memref<80x64xi32, #tpu.memory_space<vmem>> -> memref<1x64xi32, #tpu.memory_space<vmem>>
      %dma_wait3A_438 = tpu.memref_squeeze %dma_wait3A_437 : memref<1x64xi32, #tpu.memory_space<vmem>> -> memref<64xi32, #tpu.memory_space<vmem>>
      %dma_wait3A_439 = arith.constant 0 : i32
      %dma_wait3A_440 = arith.constant 0 : i32
      %dma_wait3A_441 = tpu.memref_slice %arg9[%dma_wait3A_439, %dma_wait3A_440] : memref<10112x128xf32, #tpu.memory_space<vmem_shared>> -> memref<10112x128xf32, #tpu.memory_space<vmem_shared>>
      tpu.wait_indirect_dma semaphore(%arg17 : memref<!tpu.dma_semaphore, #tpu.memory_space<semaphore_mem>>) src(%arg12 : memref<64x128xf32, #tpu.memory_space<vmem>>) dst(%dma_wait3A_441 : memref<10112x128xf32, #tpu.memory_space<vmem_shared>>)
      %dma_start3A_442 = arith.constant 0 : i32
      %dma_start3A_443 = tpu.memref_slice %arg11[%add3A_427, %dma_start3A_442] : memref<80x64xi32, #tpu.memory_space<vmem>> -> memref<1x64xi32, #tpu.memory_space<vmem>>
      %dma_start3A_444 = tpu.memref_squeeze %dma_start3A_443 : memref<1x64xi32, #tpu.memory_space<vmem>> -> memref<64xi32, #tpu.memory_space<vmem>>
      %dma_start3A_445 = arith.constant 0 : i32
      %dma_start3A_446 = arith.constant 0 : i32
      %dma_start3A_447 = tpu.memref_slice %arg9[%dma_start3A_445, %dma_start3A_446] : memref<10112x128xf32, #tpu.memory_space<vmem_shared>> -> memref<10112x128xf32, #tpu.memory_space<vmem_shared>>
      tpu.enqueue_indirect_dma source(%arg13 : memref<64x128xf32, #tpu.memory_space<vmem>>) target(%dma_start3A_447 : memref<10112x128xf32, #tpu.memory_space<vmem_shared>>) offsets(%dma_start3A_444 : memref<64xi32, #tpu.memory_space<vmem>>) semaphore(%arg18 : memref<!tpu.dma_semaphore, #tpu.memory_space<semaphore_mem>>) {add = true}
      %add3A_448 = arith.constant 1 : i32
      %add3A_449 = arith.addi %add3A_427, %add3A_448 : i32
      %dma_start3A_450 = arith.constant 0 : i32
      %dma_start3A_451 = tpu.memref_slice %arg10[%add3A_449, %dma_start3A_450] : memref<80x64xi32, #tpu.memory_space<vmem>> -> memref<1x64xi32, #tpu.memory_space<vmem>>
      %dma_start3A_452 = tpu.memref_squeeze %dma_start3A_451 : memref<1x64xi32, #tpu.memory_space<vmem>> -> memref<64xi32, #tpu.memory_space<vmem>>
      %dma_start3A_453 = arith.constant 0 : i32
      %dma_start3A_454 = arith.constant 0 : i32
      %dma_start3A_455 = tpu.memref_slice %arg2[%dma_start3A_453, %dma_start3A_454] : memref<10000x128xf32, #tpu.memory_space<hbm>> -> memref<10000x128xf32, #tpu.memory_space<hbm>>
      tpu.enqueue_indirect_dma source(%dma_start3A_455 : memref<10000x128xf32, #tpu.memory_space<hbm>>) target(%arg12 : memref<64x128xf32, #tpu.memory_space<vmem>>) offsets(%dma_start3A_452 : memref<64xi32, #tpu.memory_space<vmem>>) semaphore(%arg15 : memref<!tpu.dma_semaphore, #tpu.memory_space<semaphore_mem>>)
      %sub3A_456 = arith.constant 1 : i32
      %sub3A_457 = arith.subi %add3A_427, %sub3A_456 : i32
      %get3A_458 = arith.index_cast %sub3A_457 : i32 to index
      %get3A_459 = arith.constant 0 : index
      %get3A_460 = tpu.vector_load %arg11[%get3A_458, %get3A_459] {strides = array<i32>} : memref<80x64xi32, #tpu.memory_space<vmem>>, vector<16xi32>,
      %ge3A_461 = arith.constant 0 : i32
      %ge3A_462 = vector.broadcast %ge3A_461 : i32 to vector<16xi32>
      %ge3A_463 = arith.cmpi sge, %get3A_460, %ge3A_462 : vector<16xi32>
      %lt3A_464 = arith.constant 5056 : i32
      %lt3A_465 = vector.broadcast %lt3A_464 : i32 to vector<16xi32>
      %lt3A_466 = arith.cmpi slt, %get3A_460, %lt3A_465 : vector<16xi32>
      %and3A_467 = arith.andi %ge3A_463, %lt3A_466 : vector<16xi1>
      %sub3A_468 = arith.constant 0 : i32
      %sub3A_469 = vector.broadcast %sub3A_468 : i32 to vector<16xi32>
      %sub3A_470 = arith.subi %get3A_460, %sub3A_469 : vector<16xi32>
      %jit3A_471 = arith.constant 0 : i32
      %broadcast_in_dim3A_472 = vector.broadcast %jit3A_471 : i32 to vector<16xi32>
      %select_n3A_473 = arith.select %and3A_467, %sub3A_470, %broadcast_in_dim3A_472 : vector<16xi1>, vector<16xi32>
      tpu.vector_store_idx %arg14[%select_n3A_473], %broadcast_in_dim3A_0 masked %and3A_467 {add = true} : memref<5056xf32, #tpu.memory_space<vmem>>[vector<16xi32>], vector<16xf32>, vector<16xi1>
      %get3A_474 = arith.index_cast %sub3A_457 : i32 to index
      %get3A_475 = arith.constant 16 : index
      %get3A_476 = tpu.vector_load %arg11[%get3A_474, %get3A_475] {strides = array<i32>} : memref<80x64xi32, #tpu.memory_space<vmem>>, vector<16xi32>,
      %ge3A_477 = arith.constant 0 : i32
      %ge3A_478 = vector.broadcast %ge3A_477 : i32 to vector<16xi32>
      %ge3A_479 = arith.cmpi sge, %get3A_476, %ge3A_478 : vector<16xi32>
      %lt3A_480 = arith.constant 5056 : i32
      %lt3A_481 = vector.broadcast %lt3A_480 : i32 to vector<16xi32>
      %lt3A_482 = arith.cmpi slt, %get3A_476, %lt3A_481 : vector<16xi32>
      %and3A_483 = arith.andi %ge3A_479, %lt3A_482 : vector<16xi1>
      %sub3A_484 = arith.constant 0 : i32
      %sub3A_485 = vector.broadcast %sub3A_484 : i32 to vector<16xi32>
      %sub3A_486 = arith.subi %get3A_476, %sub3A_485 : vector<16xi32>
      %jit3A_487 = arith.constant 0 : i32
      %broadcast_in_dim3A_488 = vector.broadcast %jit3A_487 : i32 to vector<16xi32>
      %select_n3A_489 = arith.select %and3A_483, %sub3A_486, %broadcast_in_dim3A_488 : vector<16xi1>, vector<16xi32>
      tpu.vector_store_idx %arg14[%select_n3A_489], %broadcast_in_dim3A_0 masked %and3A_483 {add = true} : memref<5056xf32, #tpu.memory_space<vmem>>[vector<16xi32>], vector<16xf32>, vector<16xi1>
      %get3A_490 = arith.index_cast %sub3A_457 : i32 to index
      %get3A_491 = arith.constant 32 : index
      %get3A_492 = tpu.vector_load %arg11[%get3A_490, %get3A_491] {strides = array<i32>} : memref<80x64xi32, #tpu.memory_space<vmem>>, vector<16xi32>,
      %ge3A_493 = arith.constant 0 : i32
      %ge3A_494 = vector.broadcast %ge3A_493 : i32 to vector<16xi32>
      %ge3A_495 = arith.cmpi sge, %get3A_492, %ge3A_494 : vector<16xi32>
      %lt3A_496 = arith.constant 5056 : i32
      %lt3A_497 = vector.broadcast %lt3A_496 : i32 to vector<16xi32>
      %lt3A_498 = arith.cmpi slt, %get3A_492, %lt3A_497 : vector<16xi32>
      %and3A_499 = arith.andi %ge3A_495, %lt3A_498 : vector<16xi1>
      %sub3A_500 = arith.constant 0 : i32
      %sub3A_501 = vector.broadcast %sub3A_500 : i32 to vector<16xi32>
      %sub3A_502 = arith.subi %get3A_492, %sub3A_501 : vector<16xi32>
      %jit3A_503 = arith.constant 0 : i32
      %broadcast_in_dim3A_504 = vector.broadcast %jit3A_503 : i32 to vector<16xi32>
      %select_n3A_505 = arith.select %and3A_499, %sub3A_502, %broadcast_in_dim3A_504 : vector<16xi1>, vector<16xi32>
      tpu.vector_store_idx %arg14[%select_n3A_505], %broadcast_in_dim3A_0 masked %and3A_499 {add = true} : memref<5056xf32, #tpu.memory_space<vmem>>[vector<16xi32>], vector<16xf32>, vector<16xi1>
      %get3A_506 = arith.index_cast %sub3A_457 : i32 to index
      %get3A_507 = arith.constant 48 : index
      %get3A_508 = tpu.vector_load %arg11[%get3A_506, %get3A_507] {strides = array<i32>} : memref<80x64xi32, #tpu.memory_space<vmem>>, vector<16xi32>,
      %ge3A_509 = arith.constant 0 : i32
      %ge3A_510 = vector.broadcast %ge3A_509 : i32 to vector<16xi32>
      %ge3A_511 = arith.cmpi sge, %get3A_508, %ge3A_510 : vector<16xi32>
      %lt3A_512 = arith.constant 5056 : i32
      %lt3A_513 = vector.broadcast %lt3A_512 : i32 to vector<16xi32>
      %lt3A_514 = arith.cmpi slt, %get3A_508, %lt3A_513 : vector<16xi32>
      %and3A_515 = arith.andi %ge3A_511, %lt3A_514 : vector<16xi1>
      %sub3A_516 = arith.constant 0 : i32
      %sub3A_517 = vector.broadcast %sub3A_516 : i32 to vector<16xi32>
      %sub3A_518 = arith.subi %get3A_508, %sub3A_517 : vector<16xi32>
      %jit3A_519 = arith.constant 0 : i32
      %broadcast_in_dim3A_520 = vector.broadcast %jit3A_519 : i32 to vector<16xi32>
      %select_n3A_521 = arith.select %and3A_515, %sub3A_518, %broadcast_in_dim3A_520 : vector<16xi1>, vector<16xi32>
      tpu.vector_store_idx %arg14[%select_n3A_521], %broadcast_in_dim3A_0 masked %and3A_515 {add = true} : memref<5056xf32, #tpu.memory_space<vmem>>[vector<16xi32>], vector<16xf32>, vector<16xi1>
      %add3A_522 = arith.constant 1 : i32
      %add3A_523 = arith.addi %add3A_427, %add3A_522 : i32
      %dma_wait3A_524 = arith.constant 0 : i32
      %dma_wait3A_525 = tpu.memref_slice %arg10[%add3A_523, %dma_wait3A_524] : memref<80x64xi32, #tpu.memory_space<vmem>> -> memref<1x64xi32, #tpu.memory_space<vmem>>
      %dma_wait3A_526 = tpu.memref_squeeze %dma_wait3A_525 : memref<1x64xi32, #tpu.memory_space<vmem>> -> memref<64xi32, #tpu.memory_space<vmem>>
      %dma_wait3A_527 = arith.constant 0 : i32
      %dma_wait3A_528 = arith.constant 0 : i32
      %dma_wait3A_529 = tpu.memref_slice %arg2[%dma_wait3A_527, %dma_wait3A_528] : memref<10000x128xf32, #tpu.memory_space<hbm>> -> memref<10000x128xf32, #tpu.memory_space<hbm>>
      tpu.wait_indirect_dma semaphore(%arg15 : memref<!tpu.dma_semaphore, #tpu.memory_space<semaphore_mem>>) src(%dma_wait3A_529 : memref<10000x128xf32, #tpu.memory_space<hbm>>) dst(%arg12 : memref<64x128xf32, #tpu.memory_space<vmem>>)
      %dma_wait3A_530 = arith.constant 0 : i32
      %dma_wait3A_531 = tpu.memref_slice %arg11[%add3A_427, %dma_wait3A_530] : memref<80x64xi32, #tpu.memory_space<vmem>> -> memref<1x64xi32, #tpu.memory_space<vmem>>
      %dma_wait3A_532 = tpu.memref_squeeze %dma_wait3A_531 : memref<1x64xi32, #tpu.memory_space<vmem>> -> memref<64xi32, #tpu.memory_space<vmem>>
      %dma_wait3A_533 = arith.constant 0 : i32
      %dma_wait3A_534 = arith.constant 0 : i32
      %dma_wait3A_535 = tpu.memref_slice %arg9[%dma_wait3A_533, %dma_wait3A_534] : memref<10112x128xf32, #tpu.memory_space<vmem_shared>> -> memref<10112x128xf32, #tpu.memory_space<vmem_shared>>
      tpu.wait_indirect_dma semaphore(%arg18 : memref<!tpu.dma_semaphore, #tpu.memory_space<semaphore_mem>>) src(%arg13 : memref<64x128xf32, #tpu.memory_space<vmem>>) dst(%dma_wait3A_535 : memref<10112x128xf32, #tpu.memory_space<vmem_shared>>)
      %add3A_536 = arith.constant 1 : i32
      %add3A_537 = arith.addi %add3A_427, %add3A_536 : i32
      %dma_start3A_538 = arith.constant 0 : i32
      %dma_start3A_539 = tpu.memref_slice %arg11[%add3A_537, %dma_start3A_538] : memref<80x64xi32, #tpu.memory_space<vmem>> -> memref<1x64xi32, #tpu.memory_space<vmem>>
      %dma_start3A_540 = tpu.memref_squeeze %dma_start3A_539 : memref<1x64xi32, #tpu.memory_space<vmem>> -> memref<64xi32, #tpu.memory_space<vmem>>
      %dma_start3A_541 = arith.constant 0 : i32
      %dma_start3A_542 = arith.constant 0 : i32
      %dma_start3A_543 = tpu.memref_slice %arg9[%dma_start3A_541, %dma_start3A_542] : memref<10112x128xf32, #tpu.memory_space<vmem_shared>> -> memref<10112x128xf32, #tpu.memory_space<vmem_shared>>
      tpu.enqueue_indirect_dma source(%arg12 : memref<64x128xf32, #tpu.memory_space<vmem>>) target(%dma_start3A_543 : memref<10112x128xf32, #tpu.memory_space<vmem_shared>>) offsets(%dma_start3A_540 : memref<64xi32, #tpu.memory_space<vmem>>) semaphore(%arg17 : memref<!tpu.dma_semaphore, #tpu.memory_space<semaphore_mem>>) {add = true}
      %add3A_544 = arith.constant 2 : i32
      %add3A_545 = arith.addi %add3A_427, %add3A_544 : i32
      %dma_start3A_546 = arith.constant 0 : i32
      %dma_start3A_547 = tpu.memref_slice %arg10[%add3A_545, %dma_start3A_546] : memref<80x64xi32, #tpu.memory_space<vmem>> -> memref<1x64xi32, #tpu.memory_space<vmem>>
      %dma_start3A_548 = tpu.memref_squeeze %dma_start3A_547 : memref<1x64xi32, #tpu.memory_space<vmem>> -> memref<64xi32, #tpu.memory_space<vmem>>
      %dma_start3A_549 = arith.constant 0 : i32
      %dma_start3A_550 = arith.constant 0 : i32
      %dma_start3A_551 = tpu.memref_slice %arg2[%dma_start3A_549, %dma_start3A_550] : memref<10000x128xf32, #tpu.memory_space<hbm>> -> memref<10000x128xf32, #tpu.memory_space<hbm>>
      tpu.enqueue_indirect_dma source(%dma_start3A_551 : memref<10000x128xf32, #tpu.memory_space<hbm>>) target(%arg13 : memref<64x128xf32, #tpu.memory_space<vmem>>) offsets(%dma_start3A_548 : memref<64xi32, #tpu.memory_space<vmem>>) semaphore(%arg16 : memref<!tpu.dma_semaphore, #tpu.memory_space<semaphore_mem>>)
      %get3A_552 = arith.index_cast %add3A_427 : i32 to index
      %get3A_553 = arith.constant 0 : index
      %get3A_554 = tpu.vector_load %arg11[%get3A_552, %get3A_553] {strides = array<i32>} : memref<80x64xi32, #tpu.memory_space<vmem>>, vector<16xi32>,
      %ge3A_555 = arith.constant 0 : i32
      %ge3A_556 = vector.broadcast %ge3A_555 : i32 to vector<16xi32>
      %ge3A_557 = arith.cmpi sge, %get3A_554, %ge3A_556 : vector<16xi32>
      %lt3A_558 = arith.constant 5056 : i32
      %lt3A_559 = vector.broadcast %lt3A_558 : i32 to vector<16xi32>
      %lt3A_560 = arith.cmpi slt, %get3A_554, %lt3A_559 : vector<16xi32>
      %and3A_561 = arith.andi %ge3A_557, %lt3A_560 : vector<16xi1>
      %sub3A_562 = arith.constant 0 : i32
      %sub3A_563 = vector.broadcast %sub3A_562 : i32 to vector<16xi32>
      %sub3A_564 = arith.subi %get3A_554, %sub3A_563 : vector<16xi32>
      %jit3A_565 = arith.constant 0 : i32
      %broadcast_in_dim3A_566 = vector.broadcast %jit3A_565 : i32 to vector<16xi32>
      %select_n3A_567 = arith.select %and3A_561, %sub3A_564, %broadcast_in_dim3A_566 : vector<16xi1>, vector<16xi32>
      tpu.vector_store_idx %arg14[%select_n3A_567], %broadcast_in_dim3A_0 masked %and3A_561 {add = true} : memref<5056xf32, #tpu.memory_space<vmem>>[vector<16xi32>], vector<16xf32>, vector<16xi1>
      %get3A_568 = arith.index_cast %add3A_427 : i32 to index
      %get3A_569 = arith.constant 16 : index
      %get3A_570 = tpu.vector_load %arg11[%get3A_568, %get3A_569] {strides = array<i32>} : memref<80x64xi32, #tpu.memory_space<vmem>>, vector<16xi32>,
      %ge3A_571 = arith.constant 0 : i32
      %ge3A_572 = vector.broadcast %ge3A_571 : i32 to vector<16xi32>
      %ge3A_573 = arith.cmpi sge, %get3A_570, %ge3A_572 : vector<16xi32>
      %lt3A_574 = arith.constant 5056 : i32
      %lt3A_575 = vector.broadcast %lt3A_574 : i32 to vector<16xi32>
      %lt3A_576 = arith.cmpi slt, %get3A_570, %lt3A_575 : vector<16xi32>
      %and3A_577 = arith.andi %ge3A_573, %lt3A_576 : vector<16xi1>
      %sub3A_578 = arith.constant 0 : i32
      %sub3A_579 = vector.broadcast %sub3A_578 : i32 to vector<16xi32>
      %sub3A_580 = arith.subi %get3A_570, %sub3A_579 : vector<16xi32>
      %jit3A_581 = arith.constant 0 : i32
      %broadcast_in_dim3A_582 = vector.broadcast %jit3A_581 : i32 to vector<16xi32>
      %select_n3A_583 = arith.select %and3A_577, %sub3A_580, %broadcast_in_dim3A_582 : vector<16xi1>, vector<16xi32>
      tpu.vector_store_idx %arg14[%select_n3A_583], %broadcast_in_dim3A_0 masked %and3A_577 {add = true} : memref<5056xf32, #tpu.memory_space<vmem>>[vector<16xi32>], vector<16xf32>, vector<16xi1>
      %get3A_584 = arith.index_cast %add3A_427 : i32 to index
      %get3A_585 = arith.constant 32 : index
      %get3A_586 = tpu.vector_load %arg11[%get3A_584, %get3A_585] {strides = array<i32>} : memref<80x64xi32, #tpu.memory_space<vmem>>, vector<16xi32>,
      %ge3A_587 = arith.constant 0 : i32
      %ge3A_588 = vector.broadcast %ge3A_587 : i32 to vector<16xi32>
      %ge3A_589 = arith.cmpi sge, %get3A_586, %ge3A_588 : vector<16xi32>
      %lt3A_590 = arith.constant 5056 : i32
      %lt3A_591 = vector.broadcast %lt3A_590 : i32 to vector<16xi32>
      %lt3A_592 = arith.cmpi slt, %get3A_586, %lt3A_591 : vector<16xi32>
      %and3A_593 = arith.andi %ge3A_589, %lt3A_592 : vector<16xi1>
      %sub3A_594 = arith.constant 0 : i32
      %sub3A_595 = vector.broadcast %sub3A_594 : i32 to vector<16xi32>
      %sub3A_596 = arith.subi %get3A_586, %sub3A_595 : vector<16xi32>
      %jit3A_597 = arith.constant 0 : i32
      %broadcast_in_dim3A_598 = vector.broadcast %jit3A_597 : i32 to vector<16xi32>
      %select_n3A_599 = arith.select %and3A_593, %sub3A_596, %broadcast_in_dim3A_598 : vector<16xi1>, vector<16xi32>
      tpu.vector_store_idx %arg14[%select_n3A_599], %broadcast_in_dim3A_0 masked %and3A_593 {add = true} : memref<5056xf32, #tpu.memory_space<vmem>>[vector<16xi32>], vector<16xf32>, vector<16xi1>
      %get3A_600 = arith.index_cast %add3A_427 : i32 to index
      %get3A_601 = arith.constant 48 : index
      %get3A_602 = tpu.vector_load %arg11[%get3A_600, %get3A_601] {strides = array<i32>} : memref<80x64xi32, #tpu.memory_space<vmem>>, vector<16xi32>,
      %ge3A_603 = arith.constant 0 : i32
      %ge3A_604 = vector.broadcast %ge3A_603 : i32 to vector<16xi32>
      %ge3A_605 = arith.cmpi sge, %get3A_602, %ge3A_604 : vector<16xi32>
      %lt3A_606 = arith.constant 5056 : i32
      %lt3A_607 = vector.broadcast %lt3A_606 : i32 to vector<16xi32>
      %lt3A_608 = arith.cmpi slt, %get3A_602, %lt3A_607 : vector<16xi32>
      %and3A_609 = arith.andi %ge3A_605, %lt3A_608 : vector<16xi1>
      %sub3A_610 = arith.constant 0 : i32
      %sub3A_611 = vector.broadcast %sub3A_610 : i32 to vector<16xi32>
      %sub3A_612 = arith.subi %get3A_602, %sub3A_611 : vector<16xi32>
      %jit3A_613 = arith.constant 0 : i32
      %broadcast_in_dim3A_614 = vector.broadcast %jit3A_613 : i32 to vector<16xi32>
      %select_n3A_615 = arith.select %and3A_609, %sub3A_612, %broadcast_in_dim3A_614 : vector<16xi1>, vector<16xi32>
      tpu.vector_store_idx %arg14[%select_n3A_615], %broadcast_in_dim3A_0 masked %and3A_609 {add = true} : memref<5056xf32, #tpu.memory_space<vmem>>[vector<16xi32>], vector<16xf32>, vector<16xi1>
    }
    %scan3A_245 = arith.constant 39 : i32
    %dma_wait3A_246 = arith.constant 79 : i32
    %dma_wait3A_247 = arith.constant 0 : i32
    %dma_wait3A_248 = tpu.memref_slice %arg10[%dma_wait3A_246, %dma_wait3A_247] : memref<80x64xi32, #tpu.memory_space<vmem>> -> memref<1x64xi32, #tpu.memory_space<vmem>>
    %dma_wait3A_249 = tpu.memref_squeeze %dma_wait3A_248 : memref<1x64xi32, #tpu.memory_space<vmem>> -> memref<64xi32, #tpu.memory_space<vmem>>
    %dma_wait3A_250 = arith.constant 0 : i32
    %dma_wait3A_251 = arith.constant 0 : i32
    %dma_wait3A_252 = tpu.memref_slice %arg2[%dma_wait3A_250, %dma_wait3A_251] : memref<10000x128xf32, #tpu.memory_space<hbm>> -> memref<10000x128xf32, #tpu.memory_space<hbm>>
    tpu.wait_indirect_dma semaphore(%arg16 : memref<!tpu.dma_semaphore, #tpu.memory_space<semaphore_mem>>) src(%dma_wait3A_252 : memref<10000x128xf32, #tpu.memory_space<hbm>>) dst(%arg13 : memref<64x128xf32, #tpu.memory_space<vmem>>)
    %dma_wait3A_253 = arith.constant 78 : i32
    %dma_wait3A_254 = arith.constant 0 : i32
    %dma_wait3A_255 = tpu.memref_slice %arg11[%dma_wait3A_253, %dma_wait3A_254] : memref<80x64xi32, #tpu.memory_space<vmem>> -> memref<1x64xi32, #tpu.memory_space<vmem>>
    %dma_wait3A_256 = tpu.memref_squeeze %dma_wait3A_255 : memref<1x64xi32, #tpu.memory_space<vmem>> -> memref<64xi32, #tpu.memory_space<vmem>>
    %dma_wait3A_257 = arith.constant 0 : i32
    %dma_wait3A_258 = arith.constant 0 : i32
    %dma_wait3A_259 = tpu.memref_slice %arg9[%dma_wait3A_257, %dma_wait3A_258] : memref<10112x128xf32, #tpu.memory_space<vmem_shared>> -> memref<10112x128xf32, #tpu.memory_space<vmem_shared>>
    tpu.wait_indirect_dma semaphore(%arg17 : memref<!tpu.dma_semaphore, #tpu.memory_space<semaphore_mem>>) src(%arg12 : memref<64x128xf32, #tpu.memory_space<vmem>>) dst(%dma_wait3A_259 : memref<10112x128xf32, #tpu.memory_space<vmem_shared>>)
    %dma_start3A_260 = arith.constant 79 : i32
    %dma_start3A_261 = arith.constant 0 : i32
    %dma_start3A_262 = tpu.memref_slice %arg11[%dma_start3A_260, %dma_start3A_261] : memref<80x64xi32, #tpu.memory_space<vmem>> -> memref<1x64xi32, #tpu.memory_space<vmem>>
    %dma_start3A_263 = tpu.memref_squeeze %dma_start3A_262 : memref<1x64xi32, #tpu.memory_space<vmem>> -> memref<64xi32, #tpu.memory_space<vmem>>
    %dma_start3A_264 = arith.constant 0 : i32
    %dma_start3A_265 = arith.constant 0 : i32
    %dma_start3A_266 = tpu.memref_slice %arg9[%dma_start3A_264, %dma_start3A_265] : memref<10112x128xf32, #tpu.memory_space<vmem_shared>> -> memref<10112x128xf32, #tpu.memory_space<vmem_shared>>
    tpu.enqueue_indirect_dma source(%arg13 : memref<64x128xf32, #tpu.memory_space<vmem>>) target(%dma_start3A_266 : memref<10112x128xf32, #tpu.memory_space<vmem_shared>>) offsets(%dma_start3A_263 : memref<64xi32, #tpu.memory_space<vmem>>) semaphore(%arg18 : memref<!tpu.dma_semaphore, #tpu.memory_space<semaphore_mem>>) {add = true}
    %get3A_267 = arith.constant 78 : i32
    %get3A_268 = arith.index_cast %get3A_267 : i32 to index
    %get3A_269 = arith.constant 0 : index
    %get3A_270 = tpu.vector_load %arg11[%get3A_268, %get3A_269] {strides = array<i32>} : memref<80x64xi32, #tpu.memory_space<vmem>>, vector<16xi32>,
    %ge3A_271 = arith.constant 0 : i32
    %ge3A_272 = vector.broadcast %ge3A_271 : i32 to vector<16xi32>
    %ge3A_273 = arith.cmpi sge, %get3A_270, %ge3A_272 : vector<16xi32>
    %lt3A_274 = arith.constant 5056 : i32
    %lt3A_275 = vector.broadcast %lt3A_274 : i32 to vector<16xi32>
    %lt3A_276 = arith.cmpi slt, %get3A_270, %lt3A_275 : vector<16xi32>
    %and3A_277 = arith.andi %ge3A_273, %lt3A_276 : vector<16xi1>
    %sub3A_278 = arith.constant 0 : i32
    %sub3A_279 = vector.broadcast %sub3A_278 : i32 to vector<16xi32>
    %sub3A_280 = arith.subi %get3A_270, %sub3A_279 : vector<16xi32>
    %jit3A_281 = arith.constant 0 : i32
    %broadcast_in_dim3A_282 = vector.broadcast %jit3A_281 : i32 to vector<16xi32>
    %select_n3A_283 = arith.select %and3A_277, %sub3A_280, %broadcast_in_dim3A_282 : vector<16xi1>, vector<16xi32>
    tpu.vector_store_idx %arg14[%select_n3A_283], %broadcast_in_dim3A_0 masked %and3A_277 {add = true} : memref<5056xf32, #tpu.memory_space<vmem>>[vector<16xi32>], vector<16xf32>, vector<16xi1>
    %get3A_284 = arith.constant 78 : i32
    %get3A_285 = arith.index_cast %get3A_284 : i32 to index
    %get3A_286 = arith.constant 16 : index
    %get3A_287 = tpu.vector_load %arg11[%get3A_285, %get3A_286] {strides = array<i32>} : memref<80x64xi32, #tpu.memory_space<vmem>>, vector<16xi32>,
    %ge3A_288 = arith.constant 0 : i32
    %ge3A_289 = vector.broadcast %ge3A_288 : i32 to vector<16xi32>
    %ge3A_290 = arith.cmpi sge, %get3A_287, %ge3A_289 : vector<16xi32>
    %lt3A_291 = arith.constant 5056 : i32
    %lt3A_292 = vector.broadcast %lt3A_291 : i32 to vector<16xi32>
    %lt3A_293 = arith.cmpi slt, %get3A_287, %lt3A_292 : vector<16xi32>
    %and3A_294 = arith.andi %ge3A_290, %lt3A_293 : vector<16xi1>
    %sub3A_295 = arith.constant 0 : i32
    %sub3A_296 = vector.broadcast %sub3A_295 : i32 to vector<16xi32>
    %sub3A_297 = arith.subi %get3A_287, %sub3A_296 : vector<16xi32>
    %jit3A_298 = arith.constant 0 : i32
    %broadcast_in_dim3A_299 = vector.broadcast %jit3A_298 : i32 to vector<16xi32>
    %select_n3A_300 = arith.select %and3A_294, %sub3A_297, %broadcast_in_dim3A_299 : vector<16xi1>, vector<16xi32>
    tpu.vector_store_idx %arg14[%select_n3A_300], %broadcast_in_dim3A_0 masked %and3A_294 {add = true} : memref<5056xf32, #tpu.memory_space<vmem>>[vector<16xi32>], vector<16xf32>, vector<16xi1>
    %get3A_301 = arith.constant 78 : i32
    %get3A_302 = arith.index_cast %get3A_301 : i32 to index
    %get3A_303 = arith.constant 32 : index
    %get3A_304 = tpu.vector_load %arg11[%get3A_302, %get3A_303] {strides = array<i32>} : memref<80x64xi32, #tpu.memory_space<vmem>>, vector<16xi32>,
    %ge3A_305 = arith.constant 0 : i32
    %ge3A_306 = vector.broadcast %ge3A_305 : i32 to vector<16xi32>
    %ge3A_307 = arith.cmpi sge, %get3A_304, %ge3A_306 : vector<16xi32>
    %lt3A_308 = arith.constant 5056 : i32
    %lt3A_309 = vector.broadcast %lt3A_308 : i32 to vector<16xi32>
    %lt3A_310 = arith.cmpi slt, %get3A_304, %lt3A_309 : vector<16xi32>
    %and3A_311 = arith.andi %ge3A_307, %lt3A_310 : vector<16xi1>
    %sub3A_312 = arith.constant 0 : i32
    %sub3A_313 = vector.broadcast %sub3A_312 : i32 to vector<16xi32>
    %sub3A_314 = arith.subi %get3A_304, %sub3A_313 : vector<16xi32>
    %jit3A_315 = arith.constant 0 : i32
    %broadcast_in_dim3A_316 = vector.broadcast %jit3A_315 : i32 to vector<16xi32>
    %select_n3A_317 = arith.select %and3A_311, %sub3A_314, %broadcast_in_dim3A_316 : vector<16xi1>, vector<16xi32>
    tpu.vector_store_idx %arg14[%select_n3A_317], %broadcast_in_dim3A_0 masked %and3A_311 {add = true} : memref<5056xf32, #tpu.memory_space<vmem>>[vector<16xi32>], vector<16xf32>, vector<16xi1>
    %get3A_318 = arith.constant 78 : i32
    %get3A_319 = arith.index_cast %get3A_318 : i32 to index
    %get3A_320 = arith.constant 48 : index
    %get3A_321 = tpu.vector_load %arg11[%get3A_319, %get3A_320] {strides = array<i32>} : memref<80x64xi32, #tpu.memory_space<vmem>>, vector<16xi32>,
    %ge3A_322 = arith.constant 0 : i32
    %ge3A_323 = vector.broadcast %ge3A_322 : i32 to vector<16xi32>
    %ge3A_324 = arith.cmpi sge, %get3A_321, %ge3A_323 : vector<16xi32>
    %lt3A_325 = arith.constant 5056 : i32
    %lt3A_326 = vector.broadcast %lt3A_325 : i32 to vector<16xi32>
    %lt3A_327 = arith.cmpi slt, %get3A_321, %lt3A_326 : vector<16xi32>
    %and3A_328 = arith.andi %ge3A_324, %lt3A_327 : vector<16xi1>
    %sub3A_329 = arith.constant 0 : i32
    %sub3A_330 = vector.broadcast %sub3A_329 : i32 to vector<16xi32>
    %sub3A_331 = arith.subi %get3A_321, %sub3A_330 : vector<16xi32>
    %jit3A_332 = arith.constant 0 : i32
    %broadcast_in_dim3A_333 = vector.broadcast %jit3A_332 : i32 to vector<16xi32>
    %select_n3A_334 = arith.select %and3A_328, %sub3A_331, %broadcast_in_dim3A_333 : vector<16xi1>, vector<16xi32>
    tpu.vector_store_idx %arg14[%select_n3A_334], %broadcast_in_dim3A_0 masked %and3A_328 {add = true} : memref<5056xf32, #tpu.memory_space<vmem>>[vector<16xi32>], vector<16xf32>, vector<16xi1>
    %get3A_335 = arith.constant 79 : i32
    %get3A_336 = arith.index_cast %get3A_335 : i32 to index
    %get3A_337 = arith.constant 0 : index
    %get3A_338 = tpu.vector_load %arg11[%get3A_336, %get3A_337] {strides = array<i32>} : memref<80x64xi32, #tpu.memory_space<vmem>>, vector<16xi32>,
    %ge3A_339 = arith.constant 0 : i32
    %ge3A_340 = vector.broadcast %ge3A_339 : i32 to vector<16xi32>
    %ge3A_341 = arith.cmpi sge, %get3A_338, %ge3A_340 : vector<16xi32>
    %lt3A_342 = arith.constant 5056 : i32
    %lt3A_343 = vector.broadcast %lt3A_342 : i32 to vector<16xi32>
    %lt3A_344 = arith.cmpi slt, %get3A_338, %lt3A_343 : vector<16xi32>
    %and3A_345 = arith.andi %ge3A_341, %lt3A_344 : vector<16xi1>
    %sub3A_346 = arith.constant 0 : i32
    %sub3A_347 = vector.broadcast %sub3A_346 : i32 to vector<16xi32>
    %sub3A_348 = arith.subi %get3A_338, %sub3A_347 : vector<16xi32>
    %jit3A_349 = arith.constant 0 : i32
    %broadcast_in_dim3A_350 = vector.broadcast %jit3A_349 : i32 to vector<16xi32>
    %select_n3A_351 = arith.select %and3A_345, %sub3A_348, %broadcast_in_dim3A_350 : vector<16xi1>, vector<16xi32>
    tpu.vector_store_idx %arg14[%select_n3A_351], %broadcast_in_dim3A_0 masked %and3A_345 {add = true} : memref<5056xf32, #tpu.memory_space<vmem>>[vector<16xi32>], vector<16xf32>, vector<16xi1>
    %get3A_352 = arith.constant 79 : i32
    %get3A_353 = arith.index_cast %get3A_352 : i32 to index
    %get3A_354 = arith.constant 16 : index
    %get3A_355 = tpu.vector_load %arg11[%get3A_353, %get3A_354] {strides = array<i32>} : memref<80x64xi32, #tpu.memory_space<vmem>>, vector<16xi32>,
    %ge3A_356 = arith.constant 0 : i32
    %ge3A_357 = vector.broadcast %ge3A_356 : i32 to vector<16xi32>
    %ge3A_358 = arith.cmpi sge, %get3A_355, %ge3A_357 : vector<16xi32>
    %lt3A_359 = arith.constant 5056 : i32
    %lt3A_360 = vector.broadcast %lt3A_359 : i32 to vector<16xi32>
    %lt3A_361 = arith.cmpi slt, %get3A_355, %lt3A_360 : vector<16xi32>
    %and3A_362 = arith.andi %ge3A_358, %lt3A_361 : vector<16xi1>
    %sub3A_363 = arith.constant 0 : i32
    %sub3A_364 = vector.broadcast %sub3A_363 : i32 to vector<16xi32>
    %sub3A_365 = arith.subi %get3A_355, %sub3A_364 : vector<16xi32>
    %jit3A_366 = arith.constant 0 : i32
    %broadcast_in_dim3A_367 = vector.broadcast %jit3A_366 : i32 to vector<16xi32>
    %select_n3A_368 = arith.select %and3A_362, %sub3A_365, %broadcast_in_dim3A_367 : vector<16xi1>, vector<16xi32>
    tpu.vector_store_idx %arg14[%select_n3A_368], %broadcast_in_dim3A_0 masked %and3A_362 {add = true} : memref<5056xf32, #tpu.memory_space<vmem>>[vector<16xi32>], vector<16xf32>, vector<16xi1>
    %get3A_369 = arith.constant 79 : i32
    %get3A_370 = arith.index_cast %get3A_369 : i32 to index
    %get3A_371 = arith.constant 32 : index
    %get3A_372 = tpu.vector_load %arg11[%get3A_370, %get3A_371] {strides = array<i32>} : memref<80x64xi32, #tpu.memory_space<vmem>>, vector<16xi32>,
    %ge3A_373 = arith.constant 0 : i32
    %ge3A_374 = vector.broadcast %ge3A_373 : i32 to vector<16xi32>
    %ge3A_375 = arith.cmpi sge, %get3A_372, %ge3A_374 : vector<16xi32>
    %lt3A_376 = arith.constant 5056 : i32
    %lt3A_377 = vector.broadcast %lt3A_376 : i32 to vector<16xi32>
    %lt3A_378 = arith.cmpi slt, %get3A_372, %lt3A_377 : vector<16xi32>
    %and3A_379 = arith.andi %ge3A_375, %lt3A_378 : vector<16xi1>
    %sub3A_380 = arith.constant 0 : i32
    %sub3A_381 = vector.broadcast %sub3A_380 : i32 to vector<16xi32>
    %sub3A_382 = arith.subi %get3A_372, %sub3A_381 : vector<16xi32>
    %jit3A_383 = arith.constant 0 : i32
    %broadcast_in_dim3A_384 = vector.broadcast %jit3A_383 : i32 to vector<16xi32>
    %select_n3A_385 = arith.select %and3A_379, %sub3A_382, %broadcast_in_dim3A_384 : vector<16xi1>, vector<16xi32>
    tpu.vector_store_idx %arg14[%select_n3A_385], %broadcast_in_dim3A_0 masked %and3A_379 {add = true} : memref<5056xf32, #tpu.memory_space<vmem>>[vector<16xi32>], vector<16xf32>, vector<16xi1>
    %get3A_386 = arith.constant 79 : i32
    %get3A_387 = arith.index_cast %get3A_386 : i32 to index
    %get3A_388 = arith.constant 48 : index
    %get3A_389 = tpu.vector_load %arg11[%get3A_387, %get3A_388] {strides = array<i32>} : memref<80x64xi32, #tpu.memory_space<vmem>>, vector<16xi32>,
    %ge3A_390 = arith.constant 0 : i32
    %ge3A_391 = vector.broadcast %ge3A_390 : i32 to vector<16xi32>
    %ge3A_392 = arith.cmpi sge, %get3A_389, %ge3A_391 : vector<16xi32>
    %lt3A_393 = arith.constant 5056 : i32
    %lt3A_394 = vector.broadcast %lt3A_393 : i32 to vector<16xi32>
    %lt3A_395 = arith.cmpi slt, %get3A_389, %lt3A_394 : vector<16xi32>
    %and3A_396 = arith.andi %ge3A_392, %lt3A_395 : vector<16xi1>
    %sub3A_397 = arith.constant 0 : i32
    %sub3A_398 = vector.broadcast %sub3A_397 : i32 to vector<16xi32>
    %sub3A_399 = arith.subi %get3A_389, %sub3A_398 : vector<16xi32>
    %jit3A_400 = arith.constant 0 : i32
    %broadcast_in_dim3A_401 = vector.broadcast %jit3A_400 : i32 to vector<16xi32>
    %select_n3A_402 = arith.select %and3A_396, %sub3A_399, %broadcast_in_dim3A_401 : vector<16xi1>, vector<16xi32>
    tpu.vector_store_idx %arg14[%select_n3A_402], %broadcast_in_dim3A_0 masked %and3A_396 {add = true} : memref<5056xf32, #tpu.memory_space<vmem>>[vector<16xi32>], vector<16xf32>, vector<16xi1>
    %dma_wait3A_403 = arith.constant 79 : i32
    %dma_wait3A_404 = arith.constant 0 : i32
    %dma_wait3A_405 = tpu.memref_slice %arg11[%dma_wait3A_403, %dma_wait3A_404] : memref<80x64xi32, #tpu.memory_space<vmem>> -> memref<1x64xi32, #tpu.memory_space<vmem>>
    %dma_wait3A_406 = tpu.memref_squeeze %dma_wait3A_405 : memref<1x64xi32, #tpu.memory_space<vmem>> -> memref<64xi32, #tpu.memory_space<vmem>>
    %dma_wait3A_407 = arith.constant 0 : i32
    %dma_wait3A_408 = arith.constant 0 : i32
    %dma_wait3A_409 = tpu.memref_slice %arg9[%dma_wait3A_407, %dma_wait3A_408] : memref<10112x128xf32, #tpu.memory_space<vmem_shared>> -> memref<10112x128xf32, #tpu.memory_space<vmem_shared>>
    tpu.wait_indirect_dma semaphore(%arg18 : memref<!tpu.dma_semaphore, #tpu.memory_space<semaphore_mem>>) src(%arg13 : memref<64x128xf32, #tpu.memory_space<vmem>>) dst(%dma_wait3A_409 : memref<10112x128xf32, #tpu.memory_space<vmem_shared>>)
    %run_scoped3A_410 = arith.constant 0 : i32
    "tpu.region"() ({
      %run_scoped3A_423 = tpu.sem_alloc : memref<!tpu.dma_semaphore, #tpu.memory_space<semaphore_mem>>
      %dma_start3A_424 = arith.constant 0 : i32
      %dma_start3A_425 = tpu.memref_slice %arg8[%add3A_208, %arg1, %run_scoped3A_410, %dma_start3A_424] : memref<4x16x2x5056xf32, #tpu.memory_space<hbm>> -> memref<1x1x1x5056xf32, #tpu.memory_space<hbm>>
      %dma_start3A_426 = tpu.memref_squeeze %dma_start3A_425 : memref<1x1x1x5056xf32, #tpu.memory_space<hbm>> -> memref<5056xf32, #tpu.memory_space<hbm>>
      %dma_start3A_427 = arith.constant 0 : i32
      %dma_start3A_428 = tpu.memref_slice %arg8[%add3A_208, %arg1, %run_scoped3A_410, %dma_start3A_427] : memref<4x16x2x5056xf32, #tpu.memory_space<hbm>> -> memref<1x1x1x5056xf32, #tpu.memory_space<hbm>>
      %dma_start3A_429 = tpu.memref_squeeze %dma_start3A_428 : memref<1x1x1x5056xf32, #tpu.memory_space<hbm>> -> memref<5056xf32, #tpu.memory_space<hbm>>
      tpu.enqueue_dma source(%arg14 : memref<5056xf32, #tpu.memory_space<vmem>>) target(%dma_start3A_429 : memref<5056xf32, #tpu.memory_space<hbm>>) target_semaphore(%run_scoped3A_423 : memref<!tpu.dma_semaphore, #tpu.memory_space<semaphore_mem>>)
      %dma_wait3A_430 = arith.constant 0 : i32
      %dma_wait3A_431 = tpu.memref_slice %arg8[%add3A_208, %arg1, %run_scoped3A_410, %dma_wait3A_430] : memref<4x16x2x5056xf32, #tpu.memory_space<hbm>> -> memref<1x1x1x5056xf32, #tpu.memory_space<hbm>>
      %dma_wait3A_432 = tpu.memref_squeeze %dma_wait3A_431 : memref<1x1x1x5056xf32, #tpu.memory_space<hbm>> -> memref<5056xf32, #tpu.memory_space<hbm>>
      %dma_wait3A_433 = arith.constant 0 : i32
      %dma_wait3A_434 = tpu.memref_slice %arg8[%add3A_208, %arg1, %run_scoped3A_410, %dma_wait3A_433] : memref<4x16x2x5056xf32, #tpu.memory_space<hbm>> -> memref<1x1x1x5056xf32, #tpu.memory_space<hbm>>
      %dma_wait3A_435 = tpu.memref_squeeze %dma_wait3A_434 : memref<1x1x1x5056xf32, #tpu.memory_space<hbm>> -> memref<5056xf32, #tpu.memory_space<hbm>>
      tpu.wait_dma2 semaphore(%run_scoped3A_423 : memref<!tpu.dma_semaphore, #tpu.memory_space<semaphore_mem>>) src(%arg14 : memref<5056xf32, #tpu.memory_space<vmem>>) dst(%dma_wait3A_435 : memref<5056xf32, #tpu.memory_space<hbm>>)
      tpu.yield
    }) : () -> ()
    "tpu.region"() ({
      %run_scoped3A_423 = tpu.sem_alloc : memref<!tpu.dma_semaphore, #tpu.memory_space<semaphore_mem>>
      tpu.enqueue_dma source(%arg6 : memref<5056xf32, #tpu.memory_space<hbm>>) target(%arg14 : memref<5056xf32, #tpu.memory_space<vmem>>) target_semaphore(%run_scoped3A_423 : memref<!tpu.dma_semaphore, #tpu.memory_space<semaphore_mem>>)
      tpu.wait_dma2 semaphore(%run_scoped3A_423 : memref<!tpu.dma_semaphore, #tpu.memory_space<semaphore_mem>>) src(%arg6 : memref<5056xf32, #tpu.memory_space<hbm>>) dst(%arg14 : memref<5056xf32, #tpu.memory_space<vmem>>)
      tpu.yield
    }) : () -> ()
    %scan3A_411 = arith.constant 0 : i32
    %scan3A_412 = arith.constant 0 : i32
    %scan3A_413 = arith.constant 80 : i32
    %scan3A_414 = arith.addi %scan3A_412, %scan3A_413 : i32
    %scan3A_415 = arith.constant 1 : i32
    scf.for %scan3A_423 = %scan3A_412 to %scan3A_414 step %scan3A_415  : i32 {
      %get3A_424 = arith.index_cast %scan3A_423 : i32 to index
      %get3A_425 = arith.constant 0 : index
      %get3A_426 = tpu.vector_load %arg11[%get3A_424, %get3A_425] {strides = array<i32>} : memref<80x64xi32, #tpu.memory_space<vmem>>, vector<16xi32>,
      %ge3A_427 = arith.constant 5056 : i32
      %ge3A_428 = vector.broadcast %ge3A_427 : i32 to vector<16xi32>
      %ge3A_429 = arith.cmpi sge, %get3A_426, %ge3A_428 : vector<16xi32>
      %lt3A_430 = arith.constant 10112 : i32
      %lt3A_431 = vector.broadcast %lt3A_430 : i32 to vector<16xi32>
      %lt3A_432 = arith.cmpi slt, %get3A_426, %lt3A_431 : vector<16xi32>
      %and3A_433 = arith.andi %ge3A_429, %lt3A_432 : vector<16xi1>
      %sub3A_434 = arith.constant 5056 : i32
      %sub3A_435 = vector.broadcast %sub3A_434 : i32 to vector<16xi32>
      %sub3A_436 = arith.subi %get3A_426, %sub3A_435 : vector<16xi32>
      %jit3A_437 = arith.constant 0 : i32
      %broadcast_in_dim3A_438 = vector.broadcast %jit3A_437 : i32 to vector<16xi32>
      %select_n3A_439 = arith.select %and3A_433, %sub3A_436, %broadcast_in_dim3A_438 : vector<16xi1>, vector<16xi32>
      tpu.vector_store_idx %arg14[%select_n3A_439], %broadcast_in_dim3A_0 masked %and3A_433 {add = true} : memref<5056xf32, #tpu.memory_space<vmem>>[vector<16xi32>], vector<16xf32>, vector<16xi1>
      %get3A_440 = arith.index_cast %scan3A_423 : i32 to index
      %get3A_441 = arith.constant 16 : index
      %get3A_442 = tpu.vector_load %arg11[%get3A_440, %get3A_441] {strides = array<i32>} : memref<80x64xi32, #tpu.memory_space<vmem>>, vector<16xi32>,
      %ge3A_443 = arith.constant 5056 : i32
      %ge3A_444 = vector.broadcast %ge3A_443 : i32 to vector<16xi32>
      %ge3A_445 = arith.cmpi sge, %get3A_442, %ge3A_444 : vector<16xi32>
      %lt3A_446 = arith.constant 10112 : i32
      %lt3A_447 = vector.broadcast %lt3A_446 : i32 to vector<16xi32>
      %lt3A_448 = arith.cmpi slt, %get3A_442, %lt3A_447 : vector<16xi32>
      %and3A_449 = arith.andi %ge3A_445, %lt3A_448 : vector<16xi1>
      %sub3A_450 = arith.constant 5056 : i32
      %sub3A_451 = vector.broadcast %sub3A_450 : i32 to vector<16xi32>
      %sub3A_452 = arith.subi %get3A_442, %sub3A_451 : vector<16xi32>
      %jit3A_453 = arith.constant 0 : i32
      %broadcast_in_dim3A_454 = vector.broadcast %jit3A_453 : i32 to vector<16xi32>
      %select_n3A_455 = arith.select %and3A_449, %sub3A_452, %broadcast_in_dim3A_454 : vector<16xi1>, vector<16xi32>
      tpu.vector_store_idx %arg14[%select_n3A_455], %broadcast_in_dim3A_0 masked %and3A_449 {add = true} : memref<5056xf32, #tpu.memory_space<vmem>>[vector<16xi32>], vector<16xf32>, vector<16xi1>
      %get3A_456 = arith.index_cast %scan3A_423 : i32 to index
      %get3A_457 = arith.constant 32 : index
      %get3A_458 = tpu.vector_load %arg11[%get3A_456, %get3A_457] {strides = array<i32>} : memref<80x64xi32, #tpu.memory_space<vmem>>, vector<16xi32>,
      %ge3A_459 = arith.constant 5056 : i32
      %ge3A_460 = vector.broadcast %ge3A_459 : i32 to vector<16xi32>
      %ge3A_461 = arith.cmpi sge, %get3A_458, %ge3A_460 : vector<16xi32>
      %lt3A_462 = arith.constant 10112 : i32
      %lt3A_463 = vector.broadcast %lt3A_462 : i32 to vector<16xi32>
      %lt3A_464 = arith.cmpi slt, %get3A_458, %lt3A_463 : vector<16xi32>
      %and3A_465 = arith.andi %ge3A_461, %lt3A_464 : vector<16xi1>
      %sub3A_466 = arith.constant 5056 : i32
      %sub3A_467 = vector.broadcast %sub3A_466 : i32 to vector<16xi32>
      %sub3A_468 = arith.subi %get3A_458, %sub3A_467 : vector<16xi32>
      %jit3A_469 = arith.constant 0 : i32
      %broadcast_in_dim3A_470 = vector.broadcast %jit3A_469 : i32 to vector<16xi32>
      %select_n3A_471 = arith.select %and3A_465, %sub3A_468, %broadcast_in_dim3A_470 : vector<16xi1>, vector<16xi32>
      tpu.vector_store_idx %arg14[%select_n3A_471], %broadcast_in_dim3A_0 masked %and3A_465 {add = true} : memref<5056xf32, #tpu.memory_space<vmem>>[vector<16xi32>], vector<16xf32>, vector<16xi1>
      %get3A_472 = arith.index_cast %scan3A_423 : i32 to index
      %get3A_473 = arith.constant 48 : index
      %get3A_474 = tpu.vector_load %arg11[%get3A_472, %get3A_473] {strides = array<i32>} : memref<80x64xi32, #tpu.memory_space<vmem>>, vector<16xi32>,
      %ge3A_475 = arith.constant 5056 : i32
      %ge3A_476 = vector.broadcast %ge3A_475 : i32 to vector<16xi32>
      %ge3A_477 = arith.cmpi sge, %get3A_474, %ge3A_476 : vector<16xi32>
      %lt3A_478 = arith.constant 10112 : i32
      %lt3A_479 = vector.broadcast %lt3A_478 : i32 to vector<16xi32>
      %lt3A_480 = arith.cmpi slt, %get3A_474, %lt3A_479 : vector<16xi32>
      %and3A_481 = arith.andi %ge3A_477, %lt3A_480 : vector<16xi1>
      %sub3A_482 = arith.constant 5056 : i32
      %sub3A_483 = vector.broadcast %sub3A_482 : i32 to vector<16xi32>
      %sub3A_484 = arith.subi %get3A_474, %sub3A_483 : vector<16xi32>
      %jit3A_485 = arith.constant 0 : i32
      %broadcast_in_dim3A_486 = vector.broadcast %jit3A_485 : i32 to vector<16xi32>
      %select_n3A_487 = arith.select %and3A_481, %sub3A_484, %broadcast_in_dim3A_486 : vector<16xi1>, vector<16xi32>
      tpu.vector_store_idx %arg14[%select_n3A_487], %broadcast_in_dim3A_0 masked %and3A_481 {add = true} : memref<5056xf32, #tpu.memory_space<vmem>>[vector<16xi32>], vector<16xf32>, vector<16xi1>
    }
    %scan3A_416 = arith.constant 80 : i32
    %run_scoped3A_417 = arith.constant 1 : i32
    "tpu.region"() ({
      %run_scoped3A_423 = tpu.sem_alloc : memref<!tpu.dma_semaphore, #tpu.memory_space<semaphore_mem>>
      %dma_start3A_424 = arith.constant 0 : i32
      %dma_start3A_425 = tpu.memref_slice %arg8[%add3A_208, %arg1, %run_scoped3A_417, %dma_start3A_424] : memref<4x16x2x5056xf32, #tpu.memory_space<hbm>> -> memref<1x1x1x5056xf32, #tpu.memory_space<hbm>>
      %dma_start3A_426 = tpu.memref_squeeze %dma_start3A_425 : memref<1x1x1x5056xf32, #tpu.memory_space<hbm>> -> memref<5056xf32, #tpu.memory_space<hbm>>
      %dma_start3A_427 = arith.constant 0 : i32
      %dma_start3A_428 = tpu.memref_slice %arg8[%add3A_208, %arg1, %run_scoped3A_417, %dma_start3A_427] : memref<4x16x2x5056xf32, #tpu.memory_space<hbm>> -> memref<1x1x1x5056xf32, #tpu.memory_space<hbm>>
      %dma_start3A_429 = tpu.memref_squeeze %dma_start3A_428 : memref<1x1x1x5056xf32, #tpu.memory_space<hbm>> -> memref<5056xf32, #tpu.memory_space<hbm>>
      tpu.enqueue_dma source(%arg14 : memref<5056xf32, #tpu.memory_space<vmem>>) target(%dma_start3A_429 : memref<5056xf32, #tpu.memory_space<hbm>>) target_semaphore(%run_scoped3A_423 : memref<!tpu.dma_semaphore, #tpu.memory_space<semaphore_mem>>)
      %dma_wait3A_430 = arith.constant 0 : i32
      %dma_wait3A_431 = tpu.memref_slice %arg8[%add3A_208, %arg1, %run_scoped3A_417, %dma_wait3A_430] : memref<4x16x2x5056xf32, #tpu.memory_space<hbm>> -> memref<1x1x1x5056xf32, #tpu.memory_space<hbm>>
      %dma_wait3A_432 = tpu.memref_squeeze %dma_wait3A_431 : memref<1x1x1x5056xf32, #tpu.memory_space<hbm>> -> memref<5056xf32, #tpu.memory_space<hbm>>
      %dma_wait3A_433 = arith.constant 0 : i32
      %dma_wait3A_434 = tpu.memref_slice %arg8[%add3A_208, %arg1, %run_scoped3A_417, %dma_wait3A_433] : memref<4x16x2x5056xf32, #tpu.memory_space<hbm>> -> memref<1x1x1x5056xf32, #tpu.memory_space<hbm>>
      %dma_wait3A_435 = tpu.memref_squeeze %dma_wait3A_434 : memref<1x1x1x5056xf32, #tpu.memory_space<hbm>> -> memref<5056xf32, #tpu.memory_space<hbm>>
      tpu.wait_dma2 semaphore(%run_scoped3A_423 : memref<!tpu.dma_semaphore, #tpu.memory_space<semaphore_mem>>) src(%arg14 : memref<5056xf32, #tpu.memory_space<vmem>>) dst(%dma_wait3A_435 : memref<5056xf32, #tpu.memory_space<hbm>>)
      tpu.yield
    }) : () -> ()
    %barrier3A_418 = arith.constant 0 : index
    tpu.barrier barrier_id(%barrier3A_418)
    %mul3A_419 = arith.constant 632 : i32
    %mul3A_420 = arith.muli %arg1, %mul3A_419 : i32
    %mul3A_421 = arith.constant 632 : i32
    %mul3A_422 = arith.muli %arg1, %mul3A_421 : i32
    "tpu.region"() ({
      %run_scoped3A_423 = tpu.sem_alloc : memref<!tpu.dma_semaphore, #tpu.memory_space<semaphore_mem>>
      %dma_start3A_424 = arith.constant 0 : i32
      %dma_start3A_425 = tpu.memref_slice %arg7[%add3A_208, %mul3A_422, %dma_start3A_424] : memref<4x10112x128xf32, #tpu.memory_space<hbm>> -> memref<1x632x128xf32, #tpu.memory_space<hbm>>
      %dma_start3A_426 = tpu.memref_squeeze %dma_start3A_425 : memref<1x632x128xf32, #tpu.memory_space<hbm>> -> memref<632x128xf32, #tpu.memory_space<hbm>>
      %dma_start3A_427 = arith.constant 0 : i32
      %dma_start3A_428 = tpu.memref_slice %arg9[%mul3A_420, %dma_start3A_427] : memref<10112x128xf32, #tpu.memory_space<vmem_shared>> -> memref<632x128xf32, #tpu.memory_space<vmem_shared>>
      tpu.enqueue_dma source(%dma_start3A_428 : memref<632x128xf32, #tpu.memory_space<vmem_shared>>) target(%dma_start3A_426 : memref<632x128xf32, #tpu.memory_space<hbm>>) target_semaphore(%run_scoped3A_423 : memref<!tpu.dma_semaphore, #tpu.memory_space<semaphore_mem>>)
      %dma_wait3A_429 = arith.constant 0 : i32
      %dma_wait3A_430 = tpu.memref_slice %arg7[%add3A_208, %mul3A_422, %dma_wait3A_429] : memref<4x10112x128xf32, #tpu.memory_space<hbm>> -> memref<1x632x128xf32, #tpu.memory_space<hbm>>
      %dma_wait3A_431 = tpu.memref_squeeze %dma_wait3A_430 : memref<1x632x128xf32, #tpu.memory_space<hbm>> -> memref<632x128xf32, #tpu.memory_space<hbm>>
      %dma_wait3A_432 = arith.constant 0 : i32
      %dma_wait3A_433 = tpu.memref_slice %arg9[%mul3A_420, %dma_wait3A_432] : memref<10112x128xf32, #tpu.memory_space<vmem_shared>> -> memref<632x128xf32, #tpu.memory_space<vmem_shared>>
      tpu.wait_dma2 semaphore(%run_scoped3A_423 : memref<!tpu.dma_semaphore, #tpu.memory_space<semaphore_mem>>) src(%dma_wait3A_433 : memref<632x128xf32, #tpu.memory_space<vmem_shared>>) dst(%dma_wait3A_431 : memref<632x128xf32, #tpu.memory_space<hbm>>)
      tpu.yield
    }) : () -> ()
    return
  }
}

module attributes {stable_mosaic.version = 14 : i64} {
  func.func @_tc_self_body(%arg0: i32, %arg1: memref<2000x128xf32, #tpu.memory_space<vmem>>, %arg2: memref<128x128xf32, #tpu.memory_space<vmem>>, %arg3: memref<2000x128xf32, #tpu.memory_space<vmem>>) attributes {dimension_semantics = [#tpu.dimension_semantics<arbitrary>], iteration_bounds = array<i64: 5>, scalar_prefetch = 0 : i64, scratch_operands = 0 : i64, tpu.core_type = #tpu.core_type<tc>, window_params = [{transform_indices = @transform_0, window_bounds = array<i64: 2000, 128>}, {pipeline_mode = #tpu.pipeline_mode<synchronous>, transform_indices = @transform_1, window_bounds = array<i64: 128, 128>}, {transform_indices = @transform_2, window_bounds = array<i64: 2000, 128>}]} {
    %get3A = arith.constant 0 : index
    %get3A_0 = arith.constant 0 : index
    %get3A_1 = vector.load %arg1[%get3A, %get3A_0] : memref<2000x128xf32, #tpu.memory_space<vmem>>, vector<2000x128xf32>
    %get3A_2 = arith.constant 0 : index
    %get3A_3 = arith.constant 0 : index
    %get3A_4 = vector.load %arg2[%get3A_2, %get3A_3] : memref<128x128xf32, #tpu.memory_space<vmem>>, vector<128x128xf32>
    %dot_general3A = arith.constant dense<0.000000e+00> : vector<2000x128xf32>
    %dot_general3A_5 = tpu.matmul %get3A_1, %get3A_4, %dot_general3A {dimension_numbers = #tpu.dot_dimension_numbers<[1], [0], [0], [1], [0, 0, 1, 1], [], []>, precision = #tpu.contract_precision<fp32>, transpose_lhs_hint = false} : vector<2000x128xf32>, vector<128x128xf32>, vector<2000x128xf32> -> vector<2000x128xf32>
    %swap3A = arith.constant 0 : index
    %swap3A_6 = arith.constant 0 : index
    %swap3A_7 = vector.load %arg3[%swap3A, %swap3A_6] : memref<2000x128xf32, #tpu.memory_space<vmem>>, vector<2000x128xf32>
    tpu.vector_store %arg3[%swap3A, %swap3A_6], %dot_general3A_5 {strides = array<i32>} : memref<2000x128xf32, #tpu.memory_space<vmem>>, vector<2000x128xf32>,
    return
  }
  func.func @transform_0(%arg0: i32) -> (i32, i32) {
    %c0_i32 = arith.constant 0 : i32
    %c0_i32_0 = arith.constant 0 : i32
    return %arg0, %c0_i32 : i32, i32
  }
  func.func @transform_1(%arg0: i32) -> (i32, i32) {
    %c0_i32 = arith.constant 0 : i32
    %c0_i32_0 = arith.constant 0 : i32
    %c0_i32_1 = arith.constant 0 : i32
    return %c0_i32, %c0_i32_0 : i32, i32
  }
  func.func @transform_2(%arg0: i32) -> (i32, i32) {
    %c0_i32 = arith.constant 0 : i32
    %c0_i32_0 = arith.constant 0 : i32
    return %arg0, %c0_i32 : i32, i32
  }
}

module attributes {stable_mosaic.version = 14 : i64} {
  func.func @_tc_body(%arg0: i32, %arg1: memref<4x2000x128xf32, #tpu.memory_space<vmem>>, %arg2: memref<4x2000x16xf32, #tpu.memory_space<vmem>>, %arg3: memref<2000x128xf32, #tpu.memory_space<vmem>>, %arg4: memref<4x128x128xf32, #tpu.memory_space<vmem>>, %arg5: memref<4x4xf32, #tpu.memory_space<smem>>, %arg6: memref<1x128xf32, #tpu.memory_space<vmem>>, %arg7: memref<1x128xf32, #tpu.memory_space<vmem>>, %arg8: memref<2000x128xf32, #tpu.memory_space<vmem>>) attributes {dimension_semantics = [#tpu.dimension_semantics<arbitrary>], iteration_bounds = array<i64: 5>, scalar_prefetch = 0 : i64, scratch_operands = 0 : i64, tpu.core_type = #tpu.core_type<tc>, window_params = [{transform_indices = @transform_0, window_bounds = array<i64: 4, 2000, 128>}, {transform_indices = @transform_1, window_bounds = array<i64: 4, 2000, 16>}, {transform_indices = @transform_2, window_bounds = array<i64: 2000, 128>}, {pipeline_mode = #tpu.pipeline_mode<synchronous>, transform_indices = @transform_3, window_bounds = array<i64: 4, 128, 128>}, {transform_indices = @transform_4, window_bounds = array<i64: 4, 4>}, {pipeline_mode = #tpu.pipeline_mode<synchronous>, transform_indices = @transform_5, window_bounds = array<i64: 1, 128>}, {pipeline_mode = #tpu.pipeline_mode<synchronous>, transform_indices = @transform_6, window_bounds = array<i64: 1, 128>}, {transform_indices = @transform_7, window_bounds = array<i64: 2000, 128>}]} {
    %get3A = arith.constant 0 : index
    %get3A_0 = arith.constant 0 : index
    %get3A_1 = vector.load %arg3[%get3A, %get3A_0] : memref<2000x128xf32, #tpu.memory_space<vmem>>, vector<2000x128xf32>
    %get3A_2 = arith.constant 0 : index
    %get3A_3 = arith.constant 0 : index
    %get3A_4 = memref.load %arg5[%get3A_2, %get3A_3] : memref<4x4xf32, #tpu.memory_space<smem>>
    %get3A_5 = arith.constant 0 : index
    %get3A_6 = arith.constant 0 : index
    %get3A_7 = arith.constant 0 : index
    %get3A_8 = vector.load %arg4[%get3A_5, %get3A_6, %get3A_7] : memref<4x128x128xf32, #tpu.memory_space<vmem>>, vector<1x128x128xf32>
    %get3A_9 = vector.shape_cast %get3A_8 : vector<1x128x128xf32> to vector<128x128xf32>
    %mul3A = vector.broadcast %get3A_4 : f32 to vector<128x128xf32>
    %mul3A_10 = arith.mulf %mul3A, %get3A_9 : vector<128x128xf32>
    %get3A_11 = arith.constant 0 : index
    %get3A_12 = arith.constant 1 : index
    %get3A_13 = memref.load %arg5[%get3A_11, %get3A_12] : memref<4x4xf32, #tpu.memory_space<smem>>
    %get3A_14 = arith.constant 1 : index
    %get3A_15 = arith.constant 0 : index
    %get3A_16 = arith.constant 0 : index
    %get3A_17 = vector.load %arg4[%get3A_14, %get3A_15, %get3A_16] : memref<4x128x128xf32, #tpu.memory_space<vmem>>, vector<1x128x128xf32>
    %get3A_18 = vector.shape_cast %get3A_17 : vector<1x128x128xf32> to vector<128x128xf32>
    %mul3A_19 = vector.broadcast %get3A_13 : f32 to vector<128x128xf32>
    %mul3A_20 = arith.mulf %mul3A_19, %get3A_18 : vector<128x128xf32>
    %add3A = arith.addf %mul3A_10, %mul3A_20 : vector<128x128xf32>
    %get3A_21 = arith.constant 0 : index
    %get3A_22 = arith.constant 2 : index
    %get3A_23 = memref.load %arg5[%get3A_21, %get3A_22] : memref<4x4xf32, #tpu.memory_space<smem>>
    %get3A_24 = arith.constant 2 : index
    %get3A_25 = arith.constant 0 : index
    %get3A_26 = arith.constant 0 : index
    %get3A_27 = vector.load %arg4[%get3A_24, %get3A_25, %get3A_26] : memref<4x128x128xf32, #tpu.memory_space<vmem>>, vector<1x128x128xf32>
    %get3A_28 = vector.shape_cast %get3A_27 : vector<1x128x128xf32> to vector<128x128xf32>
    %mul3A_29 = vector.broadcast %get3A_23 : f32 to vector<128x128xf32>
    %mul3A_30 = arith.mulf %mul3A_29, %get3A_28 : vector<128x128xf32>
    %add3A_31 = arith.addf %add3A, %mul3A_30 : vector<128x128xf32>
    %get3A_32 = arith.constant 0 : index
    %get3A_33 = arith.constant 3 : index
    %get3A_34 = memref.load %arg5[%get3A_32, %get3A_33] : memref<4x4xf32, #tpu.memory_space<smem>>
    %get3A_35 = arith.constant 3 : index
    %get3A_36 = arith.constant 0 : index
    %get3A_37 = arith.constant 0 : index
    %get3A_38 = vector.load %arg4[%get3A_35, %get3A_36, %get3A_37] : memref<4x128x128xf32, #tpu.memory_space<vmem>>, vector<1x128x128xf32>
    %get3A_39 = vector.shape_cast %get3A_38 : vector<1x128x128xf32> to vector<128x128xf32>
    %mul3A_40 = vector.broadcast %get3A_34 : f32 to vector<128x128xf32>
    %mul3A_41 = arith.mulf %mul3A_40, %get3A_39 : vector<128x128xf32>
    %add3A_42 = arith.addf %add3A_31, %mul3A_41 : vector<128x128xf32>
    %get3A_43 = arith.constant 0 : index
    %get3A_44 = arith.constant 0 : index
    %get3A_45 = arith.constant 0 : index
    %get3A_46 = vector.load %arg2[%get3A_43, %get3A_44, %get3A_45] : memref<4x2000x16xf32, #tpu.memory_space<vmem>>, vector<1x2000x16xf32>
    %get3A_47 = vector.shape_cast %get3A_46 : vector<1x2000x16xf32> to vector<2000x16xf32>
    %reduce_sum3A = arith.constant dense<0.000000e+00> : vector<2000xf32>
    %reduce_sum3A_48 = vector.multi_reduction <add>, %get3A_47, %reduce_sum3A [1] : vector<2000x16xf32> to vector<2000xf32>
    %broadcast_in_dim3A = vector.shape_cast %reduce_sum3A_48 : vector<2000xf32> to vector<2000x1xf32>
    %get3A_49 = arith.constant 0 : index
    %get3A_50 = arith.constant 0 : index
    %get3A_51 = arith.constant 0 : index
    %get3A_52 = vector.load %arg1[%get3A_49, %get3A_50, %get3A_51] : memref<4x2000x128xf32, #tpu.memory_space<vmem>>, vector<1x2000x128xf32>
    %get3A_53 = vector.shape_cast %get3A_52 : vector<1x2000x128xf32> to vector<2000x128xf32>
    %max3A = arith.constant 1.000000e+00 : f32
    %max3A_54 = vector.broadcast %max3A : f32 to vector<2000x1xf32>
    %max3A_55 = arith.maximumf %broadcast_in_dim3A, %max3A_54 : vector<2000x1xf32>
    %div3A = vector.broadcast %max3A_55 : vector<2000x1xf32> to vector<2000x128xf32>
    %div3A_56 = arith.divf %get3A_53, %div3A : vector<2000x128xf32>
    %dot_general3A = arith.constant dense<0.000000e+00> : vector<2000x128xf32>
    %dot_general3A_57 = tpu.matmul %div3A_56, %add3A_42, %dot_general3A {dimension_numbers = #tpu.dot_dimension_numbers<[1], [0], [0], [1], [0, 0, 1, 1], [], []>, precision = #tpu.contract_precision<fp32>, transpose_lhs_hint = false} : vector<2000x128xf32>, vector<128x128xf32>, vector<2000x128xf32> -> vector<2000x128xf32>
    %add3A_58 = arith.addf %get3A_1, %dot_general3A_57 : vector<2000x128xf32>
    %get3A_59 = arith.constant 1 : index
    %get3A_60 = arith.constant 0 : index
    %get3A_61 = memref.load %arg5[%get3A_59, %get3A_60] : memref<4x4xf32, #tpu.memory_space<smem>>
    %get3A_62 = arith.constant 0 : index
    %get3A_63 = arith.constant 0 : index
    %get3A_64 = arith.constant 0 : index
    %get3A_65 = vector.load %arg4[%get3A_62, %get3A_63, %get3A_64] : memref<4x128x128xf32, #tpu.memory_space<vmem>>, vector<1x128x128xf32>
    %get3A_66 = vector.shape_cast %get3A_65 : vector<1x128x128xf32> to vector<128x128xf32>
    %mul3A_67 = vector.broadcast %get3A_61 : f32 to vector<128x128xf32>
    %mul3A_68 = arith.mulf %mul3A_67, %get3A_66 : vector<128x128xf32>
    %get3A_69 = arith.constant 1 : index
    %get3A_70 = arith.constant 1 : index
    %get3A_71 = memref.load %arg5[%get3A_69, %get3A_70] : memref<4x4xf32, #tpu.memory_space<smem>>
    %get3A_72 = arith.constant 1 : index
    %get3A_73 = arith.constant 0 : index
    %get3A_74 = arith.constant 0 : index
    %get3A_75 = vector.load %arg4[%get3A_72, %get3A_73, %get3A_74] : memref<4x128x128xf32, #tpu.memory_space<vmem>>, vector<1x128x128xf32>
    %get3A_76 = vector.shape_cast %get3A_75 : vector<1x128x128xf32> to vector<128x128xf32>
    %mul3A_77 = vector.broadcast %get3A_71 : f32 to vector<128x128xf32>
    %mul3A_78 = arith.mulf %mul3A_77, %get3A_76 : vector<128x128xf32>
    %add3A_79 = arith.addf %mul3A_68, %mul3A_78 : vector<128x128xf32>
    %get3A_80 = arith.constant 1 : index
    %get3A_81 = arith.constant 2 : index
    %get3A_82 = memref.load %arg5[%get3A_80, %get3A_81] : memref<4x4xf32, #tpu.memory_space<smem>>
    %get3A_83 = arith.constant 2 : index
    %get3A_84 = arith.constant 0 : index
    %get3A_85 = arith.constant 0 : index
    %get3A_86 = vector.load %arg4[%get3A_83, %get3A_84, %get3A_85] : memref<4x128x128xf32, #tpu.memory_space<vmem>>, vector<1x128x128xf32>
    %get3A_87 = vector.shape_cast %get3A_86 : vector<1x128x128xf32> to vector<128x128xf32>
    %mul3A_88 = vector.broadcast %get3A_82 : f32 to vector<128x128xf32>
    %mul3A_89 = arith.mulf %mul3A_88, %get3A_87 : vector<128x128xf32>
    %add3A_90 = arith.addf %add3A_79, %mul3A_89 : vector<128x128xf32>
    %get3A_91 = arith.constant 1 : index
    %get3A_92 = arith.constant 3 : index
    %get3A_93 = memref.load %arg5[%get3A_91, %get3A_92] : memref<4x4xf32, #tpu.memory_space<smem>>
    %get3A_94 = arith.constant 3 : index
    %get3A_95 = arith.constant 0 : index
    %get3A_96 = arith.constant 0 : index
    %get3A_97 = vector.load %arg4[%get3A_94, %get3A_95, %get3A_96] : memref<4x128x128xf32, #tpu.memory_space<vmem>>, vector<1x128x128xf32>
    %get3A_98 = vector.shape_cast %get3A_97 : vector<1x128x128xf32> to vector<128x128xf32>
    %mul3A_99 = vector.broadcast %get3A_93 : f32 to vector<128x128xf32>
    %mul3A_100 = arith.mulf %mul3A_99, %get3A_98 : vector<128x128xf32>
    %add3A_101 = arith.addf %add3A_90, %mul3A_100 : vector<128x128xf32>
    %get3A_102 = arith.constant 1 : index
    %get3A_103 = arith.constant 0 : index
    %get3A_104 = arith.constant 0 : index
    %get3A_105 = vector.load %arg2[%get3A_102, %get3A_103, %get3A_104] : memref<4x2000x16xf32, #tpu.memory_space<vmem>>, vector<1x2000x16xf32>
    %get3A_106 = vector.shape_cast %get3A_105 : vector<1x2000x16xf32> to vector<2000x16xf32>
    %reduce_sum3A_107 = arith.constant dense<0.000000e+00> : vector<2000xf32>
    %reduce_sum3A_108 = vector.multi_reduction <add>, %get3A_106, %reduce_sum3A_107 [1] : vector<2000x16xf32> to vector<2000xf32>
    %broadcast_in_dim3A_109 = vector.shape_cast %reduce_sum3A_108 : vector<2000xf32> to vector<2000x1xf32>
    %get3A_110 = arith.constant 1 : index
    %get3A_111 = arith.constant 0 : index
    %get3A_112 = arith.constant 0 : index
    %get3A_113 = vector.load %arg1[%get3A_110, %get3A_111, %get3A_112] : memref<4x2000x128xf32, #tpu.memory_space<vmem>>, vector<1x2000x128xf32>
    %get3A_114 = vector.shape_cast %get3A_113 : vector<1x2000x128xf32> to vector<2000x128xf32>
    %max3A_115 = arith.constant 1.000000e+00 : f32
    %max3A_116 = vector.broadcast %max3A_115 : f32 to vector<2000x1xf32>
    %max3A_117 = arith.maximumf %broadcast_in_dim3A_109, %max3A_116 : vector<2000x1xf32>
    %div3A_118 = vector.broadcast %max3A_117 : vector<2000x1xf32> to vector<2000x128xf32>
    %div3A_119 = arith.divf %get3A_114, %div3A_118 : vector<2000x128xf32>
    %dot_general3A_120 = arith.constant dense<0.000000e+00> : vector<2000x128xf32>
    %dot_general3A_121 = tpu.matmul %div3A_119, %add3A_101, %dot_general3A_120 {dimension_numbers = #tpu.dot_dimension_numbers<[1], [0], [0], [1], [0, 0, 1, 1], [], []>, precision = #tpu.contract_precision<fp32>, transpose_lhs_hint = false} : vector<2000x128xf32>, vector<128x128xf32>, vector<2000x128xf32> -> vector<2000x128xf32>
    %add3A_122 = arith.addf %add3A_58, %dot_general3A_121 : vector<2000x128xf32>
    %get3A_123 = arith.constant 2 : index
    %get3A_124 = arith.constant 0 : index
    %get3A_125 = memref.load %arg5[%get3A_123, %get3A_124] : memref<4x4xf32, #tpu.memory_space<smem>>
    %get3A_126 = arith.constant 0 : index
    %get3A_127 = arith.constant 0 : index
    %get3A_128 = arith.constant 0 : index
    %get3A_129 = vector.load %arg4[%get3A_126, %get3A_127, %get3A_128] : memref<4x128x128xf32, #tpu.memory_space<vmem>>, vector<1x128x128xf32>
    %get3A_130 = vector.shape_cast %get3A_129 : vector<1x128x128xf32> to vector<128x128xf32>
    %mul3A_131 = vector.broadcast %get3A_125 : f32 to vector<128x128xf32>
    %mul3A_132 = arith.mulf %mul3A_131, %get3A_130 : vector<128x128xf32>
    %get3A_133 = arith.constant 2 : index
    %get3A_134 = arith.constant 1 : index
    %get3A_135 = memref.load %arg5[%get3A_133, %get3A_134] : memref<4x4xf32, #tpu.memory_space<smem>>
    %get3A_136 = arith.constant 1 : index
    %get3A_137 = arith.constant 0 : index
    %get3A_138 = arith.constant 0 : index
    %get3A_139 = vector.load %arg4[%get3A_136, %get3A_137, %get3A_138] : memref<4x128x128xf32, #tpu.memory_space<vmem>>, vector<1x128x128xf32>
    %get3A_140 = vector.shape_cast %get3A_139 : vector<1x128x128xf32> to vector<128x128xf32>
    %mul3A_141 = vector.broadcast %get3A_135 : f32 to vector<128x128xf32>
    %mul3A_142 = arith.mulf %mul3A_141, %get3A_140 : vector<128x128xf32>
    %add3A_143 = arith.addf %mul3A_132, %mul3A_142 : vector<128x128xf32>
    %get3A_144 = arith.constant 2 : index
    %get3A_145 = arith.constant 2 : index
    %get3A_146 = memref.load %arg5[%get3A_144, %get3A_145] : memref<4x4xf32, #tpu.memory_space<smem>>
    %get3A_147 = arith.constant 2 : index
    %get3A_148 = arith.constant 0 : index
    %get3A_149 = arith.constant 0 : index
    %get3A_150 = vector.load %arg4[%get3A_147, %get3A_148, %get3A_149] : memref<4x128x128xf32, #tpu.memory_space<vmem>>, vector<1x128x128xf32>
    %get3A_151 = vector.shape_cast %get3A_150 : vector<1x128x128xf32> to vector<128x128xf32>
    %mul3A_152 = vector.broadcast %get3A_146 : f32 to vector<128x128xf32>
    %mul3A_153 = arith.mulf %mul3A_152, %get3A_151 : vector<128x128xf32>
    %add3A_154 = arith.addf %add3A_143, %mul3A_153 : vector<128x128xf32>
    %get3A_155 = arith.constant 2 : index
    %get3A_156 = arith.constant 3 : index
    %get3A_157 = memref.load %arg5[%get3A_155, %get3A_156] : memref<4x4xf32, #tpu.memory_space<smem>>
    %get3A_158 = arith.constant 3 : index
    %get3A_159 = arith.constant 0 : index
    %get3A_160 = arith.constant 0 : index
    %get3A_161 = vector.load %arg4[%get3A_158, %get3A_159, %get3A_160] : memref<4x128x128xf32, #tpu.memory_space<vmem>>, vector<1x128x128xf32>
    %get3A_162 = vector.shape_cast %get3A_161 : vector<1x128x128xf32> to vector<128x128xf32>
    %mul3A_163 = vector.broadcast %get3A_157 : f32 to vector<128x128xf32>
    %mul3A_164 = arith.mulf %mul3A_163, %get3A_162 : vector<128x128xf32>
    %add3A_165 = arith.addf %add3A_154, %mul3A_164 : vector<128x128xf32>
    %get3A_166 = arith.constant 2 : index
    %get3A_167 = arith.constant 0 : index
    %get3A_168 = arith.constant 0 : index
    %get3A_169 = vector.load %arg2[%get3A_166, %get3A_167, %get3A_168] : memref<4x2000x16xf32, #tpu.memory_space<vmem>>, vector<1x2000x16xf32>
    %get3A_170 = vector.shape_cast %get3A_169 : vector<1x2000x16xf32> to vector<2000x16xf32>
    %reduce_sum3A_171 = arith.constant dense<0.000000e+00> : vector<2000xf32>
    %reduce_sum3A_172 = vector.multi_reduction <add>, %get3A_170, %reduce_sum3A_171 [1] : vector<2000x16xf32> to vector<2000xf32>
    %broadcast_in_dim3A_173 = vector.shape_cast %reduce_sum3A_172 : vector<2000xf32> to vector<2000x1xf32>
    %get3A_174 = arith.constant 2 : index
    %get3A_175 = arith.constant 0 : index
    %get3A_176 = arith.constant 0 : index
    %get3A_177 = vector.load %arg1[%get3A_174, %get3A_175, %get3A_176] : memref<4x2000x128xf32, #tpu.memory_space<vmem>>, vector<1x2000x128xf32>
    %get3A_178 = vector.shape_cast %get3A_177 : vector<1x2000x128xf32> to vector<2000x128xf32>
    %max3A_179 = arith.constant 1.000000e+00 : f32
    %max3A_180 = vector.broadcast %max3A_179 : f32 to vector<2000x1xf32>
    %max3A_181 = arith.maximumf %broadcast_in_dim3A_173, %max3A_180 : vector<2000x1xf32>
    %div3A_182 = vector.broadcast %max3A_181 : vector<2000x1xf32> to vector<2000x128xf32>
    %div3A_183 = arith.divf %get3A_178, %div3A_182 : vector<2000x128xf32>
    %dot_general3A_184 = arith.constant dense<0.000000e+00> : vector<2000x128xf32>
    %dot_general3A_185 = tpu.matmul %div3A_183, %add3A_165, %dot_general3A_184 {dimension_numbers = #tpu.dot_dimension_numbers<[1], [0], [0], [1], [0, 0, 1, 1], [], []>, precision = #tpu.contract_precision<fp32>, transpose_lhs_hint = false} : vector<2000x128xf32>, vector<128x128xf32>, vector<2000x128xf32> -> vector<2000x128xf32>
    %add3A_186 = arith.addf %add3A_122, %dot_general3A_185 : vector<2000x128xf32>
    %get3A_187 = arith.constant 3 : index
    %get3A_188 = arith.constant 0 : index
    %get3A_189 = memref.load %arg5[%get3A_187, %get3A_188] : memref<4x4xf32, #tpu.memory_space<smem>>
    %get3A_190 = arith.constant 0 : index
    %get3A_191 = arith.constant 0 : index
    %get3A_192 = arith.constant 0 : index
    %get3A_193 = vector.load %arg4[%get3A_190, %get3A_191, %get3A_192] : memref<4x128x128xf32, #tpu.memory_space<vmem>>, vector<1x128x128xf32>
    %get3A_194 = vector.shape_cast %get3A_193 : vector<1x128x128xf32> to vector<128x128xf32>
    %mul3A_195 = vector.broadcast %get3A_189 : f32 to vector<128x128xf32>
    %mul3A_196 = arith.mulf %mul3A_195, %get3A_194 : vector<128x128xf32>
    %get3A_197 = arith.constant 3 : index
    %get3A_198 = arith.constant 1 : index
    %get3A_199 = memref.load %arg5[%get3A_197, %get3A_198] : memref<4x4xf32, #tpu.memory_space<smem>>
    %get3A_200 = arith.constant 1 : index
    %get3A_201 = arith.constant 0 : index
    %get3A_202 = arith.constant 0 : index
    %get3A_203 = vector.load %arg4[%get3A_200, %get3A_201, %get3A_202] : memref<4x128x128xf32, #tpu.memory_space<vmem>>, vector<1x128x128xf32>
    %get3A_204 = vector.shape_cast %get3A_203 : vector<1x128x128xf32> to vector<128x128xf32>
    %mul3A_205 = vector.broadcast %get3A_199 : f32 to vector<128x128xf32>
    %mul3A_206 = arith.mulf %mul3A_205, %get3A_204 : vector<128x128xf32>
    %add3A_207 = arith.addf %mul3A_196, %mul3A_206 : vector<128x128xf32>
    %get3A_208 = arith.constant 3 : index
    %get3A_209 = arith.constant 2 : index
    %get3A_210 = memref.load %arg5[%get3A_208, %get3A_209] : memref<4x4xf32, #tpu.memory_space<smem>>
    %get3A_211 = arith.constant 2 : index
    %get3A_212 = arith.constant 0 : index
    %get3A_213 = arith.constant 0 : index
    %get3A_214 = vector.load %arg4[%get3A_211, %get3A_212, %get3A_213] : memref<4x128x128xf32, #tpu.memory_space<vmem>>, vector<1x128x128xf32>
    %get3A_215 = vector.shape_cast %get3A_214 : vector<1x128x128xf32> to vector<128x128xf32>
    %mul3A_216 = vector.broadcast %get3A_210 : f32 to vector<128x128xf32>
    %mul3A_217 = arith.mulf %mul3A_216, %get3A_215 : vector<128x128xf32>
    %add3A_218 = arith.addf %add3A_207, %mul3A_217 : vector<128x128xf32>
    %get3A_219 = arith.constant 3 : index
    %get3A_220 = arith.constant 3 : index
    %get3A_221 = memref.load %arg5[%get3A_219, %get3A_220] : memref<4x4xf32, #tpu.memory_space<smem>>
    %get3A_222 = arith.constant 3 : index
    %get3A_223 = arith.constant 0 : index
    %get3A_224 = arith.constant 0 : index
    %get3A_225 = vector.load %arg4[%get3A_222, %get3A_223, %get3A_224] : memref<4x128x128xf32, #tpu.memory_space<vmem>>, vector<1x128x128xf32>
    %get3A_226 = vector.shape_cast %get3A_225 : vector<1x128x128xf32> to vector<128x128xf32>
    %mul3A_227 = vector.broadcast %get3A_221 : f32 to vector<128x128xf32>
    %mul3A_228 = arith.mulf %mul3A_227, %get3A_226 : vector<128x128xf32>
    %add3A_229 = arith.addf %add3A_218, %mul3A_228 : vector<128x128xf32>
    %get3A_230 = arith.constant 3 : index
    %get3A_231 = arith.constant 0 : index
    %get3A_232 = arith.constant 0 : index
    %get3A_233 = vector.load %arg2[%get3A_230, %get3A_231, %get3A_232] : memref<4x2000x16xf32, #tpu.memory_space<vmem>>, vector<1x2000x16xf32>
    %get3A_234 = vector.shape_cast %get3A_233 : vector<1x2000x16xf32> to vector<2000x16xf32>
    %reduce_sum3A_235 = arith.constant dense<0.000000e+00> : vector<2000xf32>
    %reduce_sum3A_236 = vector.multi_reduction <add>, %get3A_234, %reduce_sum3A_235 [1] : vector<2000x16xf32> to vector<2000xf32>
    %broadcast_in_dim3A_237 = vector.shape_cast %reduce_sum3A_236 : vector<2000xf32> to vector<2000x1xf32>
    %get3A_238 = arith.constant 3 : index
    %get3A_239 = arith.constant 0 : index
    %get3A_240 = arith.constant 0 : index
    %get3A_241 = vector.load %arg1[%get3A_238, %get3A_239, %get3A_240] : memref<4x2000x128xf32, #tpu.memory_space<vmem>>, vector<1x2000x128xf32>
    %get3A_242 = vector.shape_cast %get3A_241 : vector<1x2000x128xf32> to vector<2000x128xf32>
    %max3A_243 = arith.constant 1.000000e+00 : f32
    %max3A_244 = vector.broadcast %max3A_243 : f32 to vector<2000x1xf32>
    %max3A_245 = arith.maximumf %broadcast_in_dim3A_237, %max3A_244 : vector<2000x1xf32>
    %div3A_246 = vector.broadcast %max3A_245 : vector<2000x1xf32> to vector<2000x128xf32>
    %div3A_247 = arith.divf %get3A_242, %div3A_246 : vector<2000x128xf32>
    %dot_general3A_248 = arith.constant dense<0.000000e+00> : vector<2000x128xf32>
    %dot_general3A_249 = tpu.matmul %div3A_247, %add3A_229, %dot_general3A_248 {dimension_numbers = #tpu.dot_dimension_numbers<[1], [0], [0], [1], [0, 0, 1, 1], [], []>, precision = #tpu.contract_precision<fp32>, transpose_lhs_hint = false} : vector<2000x128xf32>, vector<128x128xf32>, vector<2000x128xf32> -> vector<2000x128xf32>
    %add3A_250 = arith.addf %add3A_186, %dot_general3A_249 : vector<2000x128xf32>
    %reduce_sum3A_251 = arith.constant dense<0.000000e+00> : vector<2000xf32>
    %reduce_sum3A_252 = vector.multi_reduction <add>, %add3A_250, %reduce_sum3A_251 [1] : vector<2000x128xf32> to vector<2000xf32>
    %broadcast_in_dim3A_253 = vector.shape_cast %reduce_sum3A_252 : vector<2000xf32> to vector<2000x1xf32>
    %div3A_254 = arith.constant 1.280000e+02 : f32
    %div3A_255 = vector.broadcast %div3A_254 : f32 to vector<2000x1xf32>
    %div3A_256 = arith.divf %broadcast_in_dim3A_253, %div3A_255 : vector<2000x1xf32>
    %sub3A = vector.broadcast %div3A_256 : vector<2000x1xf32> to vector<2000x128xf32>
    %sub3A_257 = arith.subf %add3A_250, %sub3A : vector<2000x128xf32>
    %integer_pow3A = arith.mulf %sub3A_257, %sub3A_257 : vector<2000x128xf32>
    %reduce_sum3A_258 = arith.constant dense<0.000000e+00> : vector<2000xf32>
    %reduce_sum3A_259 = vector.multi_reduction <add>, %integer_pow3A, %reduce_sum3A_258 [1] : vector<2000x128xf32> to vector<2000xf32>
    %broadcast_in_dim3A_260 = vector.shape_cast %reduce_sum3A_259 : vector<2000xf32> to vector<2000x1xf32>
    %div3A_261 = arith.constant 1.280000e+02 : f32
    %div3A_262 = vector.broadcast %div3A_261 : f32 to vector<2000x1xf32>
    %div3A_263 = arith.divf %broadcast_in_dim3A_260, %div3A_262 : vector<2000x1xf32>
    %sub3A_264 = vector.broadcast %div3A_256 : vector<2000x1xf32> to vector<2000x128xf32>
    %sub3A_265 = arith.subf %add3A_250, %sub3A_264 : vector<2000x128xf32>
    %add3A_266 = arith.constant 9.99999974E-6 : f32
    %add3A_267 = vector.broadcast %add3A_266 : f32 to vector<2000x1xf32>
    %add3A_268 = arith.addf %div3A_263, %add3A_267 : vector<2000x1xf32>
    %rsqrt3A = math.rsqrt %add3A_268 : vector<2000x1xf32>
    %mul3A_269 = vector.broadcast %rsqrt3A : vector<2000x1xf32> to vector<2000x128xf32>
    %mul3A_270 = arith.mulf %sub3A_265, %mul3A_269 : vector<2000x128xf32>
    %get3A_271 = arith.constant 0 : index
    %get3A_272 = arith.constant 0 : index
    %get3A_273 = vector.load %arg6[%get3A_271, %get3A_272] : memref<1x128xf32, #tpu.memory_space<vmem>>, vector<1x128xf32>
    %mul3A_274 = vector.broadcast %get3A_273 : vector<1x128xf32> to vector<2000x128xf32>
    %mul3A_275 = arith.mulf %mul3A_270, %mul3A_274 : vector<2000x128xf32>
    %get3A_276 = arith.constant 0 : index
    %get3A_277 = arith.constant 0 : index
    %get3A_278 = vector.load %arg7[%get3A_276, %get3A_277] : memref<1x128xf32, #tpu.memory_space<vmem>>, vector<1x128xf32>
    %add3A_279 = vector.broadcast %get3A_278 : vector<1x128xf32> to vector<2000x128xf32>
    %add3A_280 = arith.addf %mul3A_275, %add3A_279 : vector<2000x128xf32>
    %swap3A = arith.constant 0 : index
    %swap3A_281 = arith.constant 0 : index
    %swap3A_282 = vector.load %arg8[%swap3A, %swap3A_281] : memref<2000x128xf32, #tpu.memory_space<vmem>>, vector<2000x128xf32>
    tpu.vector_store %arg8[%swap3A, %swap3A_281], %add3A_280 {strides = array<i32>} : memref<2000x128xf32, #tpu.memory_space<vmem>>, vector<2000x128xf32>,
    return
  }
  func.func @transform_0(%arg0: i32) -> (i32, i32, i32) {
    %c0_i32 = arith.constant 0 : i32
    %c0_i32_0 = arith.constant 0 : i32
    %c0_i32_1 = arith.constant 0 : i32
    return %c0_i32, %arg0, %c0_i32_0 : i32, i32, i32
  }
  func.func @transform_1(%arg0: i32) -> (i32, i32, i32) {
    %c0_i32 = arith.constant 0 : i32
    %c0_i32_0 = arith.constant 0 : i32
    %c0_i32_1 = arith.constant 0 : i32
    return %c0_i32, %arg0, %c0_i32_0 : i32, i32, i32
  }
  func.func @transform_2(%arg0: i32) -> (i32, i32) {
    %c0_i32 = arith.constant 0 : i32
    %c0_i32_0 = arith.constant 0 : i32
    return %arg0, %c0_i32 : i32, i32
  }
  func.func @transform_3(%arg0: i32) -> (i32, i32, i32) {
    %c0_i32 = arith.constant 0 : i32
    %c0_i32_0 = arith.constant 0 : i32
    %c0_i32_1 = arith.constant 0 : i32
    %c0_i32_2 = arith.constant 0 : i32
    return %c0_i32, %c0_i32_0, %c0_i32_1 : i32, i32, i32
  }
  func.func @transform_4(%arg0: i32) -> (i32, i32) {
    %c0_i32 = arith.constant 0 : i32
    %c0_i32_0 = arith.constant 0 : i32
    %c0_i32_1 = arith.constant 0 : i32
    return %c0_i32, %c0_i32_0 : i32, i32
  }
  func.func @transform_5(%arg0: i32) -> (i32, i32) {
    %c0_i32 = arith.constant 0 : i32
    %c0_i32_0 = arith.constant 0 : i32
    %c0_i32_1 = arith.constant 0 : i32
    return %c0_i32, %c0_i32_0 : i32, i32
  }
  func.func @transform_6(%arg0: i32) -> (i32, i32) {
    %c0_i32 = arith.constant 0 : i32
    %c0_i32_0 = arith.constant 0 : i32
    %c0_i32_1 = arith.constant 0 : i32
    return %c0_i32, %c0_i32_0 : i32, i32
  }
  func.func @transform_7(%arg0: i32) -> (i32, i32) {
    %c0_i32 = arith.constant 0 : i32
    %c0_i32_0 = arith.constant 0 : i32
    return %arg0, %c0_i32 : i32, i32
  }
}

</mosaic_0001>

<sc_bundles>
// kernel: kernel.5.cloned.1.call-start
scs
__scs_entry_jumppad:
0x0: {  	(pc) =	sbr.rel $0x88, $3  }
0x1: {  	(tag) =	ssettag $0x0;
	lr =	simm.s32 $0x1  }
0x2: {  	[smem:$0x3F97] =	sst lr;
	_ =	strace $0xD0000000  }
0x3: {  	_ = 	snop  }
0x4: {  	_ = 	snop  }
0x5: {  	_ = 	snop  }
0x6: {  	_ = 	snop  }
0x7: {  	_ = 	snop  }
__scs_overlays_trampoline_lowered:
0x8: {  	[smem:$0x3FA6] =	sst s0  }
0x9: {  	[smem:$0x3FA7] =	sst s1  }
0xa: {  	[smem:$0x3FA8] =	sst s2  }
0xb: {  	[smem:$0x3FA9] =	sst s3  }
0xc: {  	[smem:$0x3FAA] =	sst s4  }
0xd: {  	[smem:$0x3FAB] =	sst s5  }
0xe: {  	[smem:$0x3FAC] =	sst s6  }
0xf: {  	[smem:$0x3FAD] =	sst s7  }
0x10: {  	[smem:$0x3FAE] =	sst s8  }
0x11: {  	[smem:$0x3FAF] =	sst s9;
	s0 =	simm.s32 @!p0 $0x0  }
0x12: {  	s1 =	sld [smem:$0x3F95];
	s0 =	simm.s32 @p0 $0x1  }
0x13: {  	[smem:$0x3FB0] =	sst s0;
	s0 =	simm.s32 @!p1 $0x0  }
0x14: {  	s2 =	sld [smem:$0x3F94];
	s0 =	simm.s32 @p1 $0x1  }
0x15: {  	[smem:$0x3FB1] =	sst s0;
	s0 =	simm.s32 @!p2 $0x0  }
0x16: {  	s3 =	sld [smem:$0x3FDB];
	s0 =	simm.s32 @p2 $0x1  }
0x17: {  	s4 =	simm.s32 $0x1BF5;
	[smem:$0x3FB3] =	sst s0  }
0x18: {  	s0 =	sld [smem:$0x3F96];
	_ =	swait.ge [sflag:s4], $0x0  }
0x19: {  	s7 =	sld [smem:$0x3F97]  }
0x1a: {  	s8 =	sadd.s32 $0xFFFFE003, lr  }
0x1b: {  	s9 =	sadd.s32 $0xFFFFFEF7, lr;
	s5 =	simm.s32 $0xFFFFFFFF;
	p2 =	slt.u32 s8, $0xFFFFF086  }
0x1c: {  	p1 =	slt.u32 s9, $0xF7A;
	s5 =	simm.s32 @!p2 $0x0  }
0x1d: {  	s5 =	simm.s32 @p1 $0x1;
	p0 =	seq.s32 s7, s2  }
0x1e: {  	s7 =	smul.u32 @!p0 $0xF7A, s2;
	p2 =	seq.s32 @!p0 s5, $0x0  }
0x1f: {  	s9 =	smul.u32 $0xF7A, s1;
	s8 =	simm.s32 @!p0 $0x1BF5;
	p2 =	por !p2, p0  }
0x20: {  	[sflag:s8] =	ssyncset.s32 @!p0 $0xFFFFF086;
	s6 =	sadd.s32 @!p0 s3, s7;
	s7 =	simm.s32 @!p0 $0x108  }
0x21: {  	s3 =	sadd.s32 s3, s9;
	s6 =	sadd.s32 @!p0 $0x88, s6;
	s7 =	simm.s32 @p2 $0x1082  }
0x22: {  	[simem:s7], [sflag:s8] =	dma.local @!p0 [hbm:s6], $0xF7A  }
0x23: {  	s9 =	sor.u32 $0xD0000000, s2;
	s6 =	simm.s32 $0x108;
	_ =	swait.ge @!p0 [sflag:s8], $0x0  }
0x24: {  	s3 =	sadd.s32 $0x88, s3;
	s6 =	simm.s32 @!p1 $0x1082;
	[sflag:s4] =	ssyncset.s32 $0xFFFFF086  }
0x25: {  	[simem:s6], [sflag:s4] =	dma.local [hbm:s3], $0xF7A  }
0x26: {  	[smem:$0x3F97] =	sst s1;
	(tag) =	ssettag s2;
	_ =	strace s9  }
0x27: {  	s1 =	sld [smem:$0x3FA7]  }
0x28: {  	s2 =	sld [smem:$0x3FA8]  }
0x29: {  	s4 =	sld [smem:$0x3FAA]  }
0x2a: {  	p0 =	seq.s32 s5, $0x0;
	s5 =	sld [smem:$0x3FAB]  }
0x2b: {  	s6 =	sld [smem:$0x3FAC]  }
0x2c: {  	s7 =	sld [smem:$0x3FAD]  }
0x2d: {  	s3 =	simm.s32 $0x108;
	s8 =	sld [smem:$0x3FAE]  }
0x2e: {  	s3 =	simm.s32 @!p0 $0x1082;
	s9 =	sld [smem:$0x3FAF]  }
0x2f: {  	lr =	sadd.s32 s0, s3;
	s0 =	sld [smem:$0x3FA6]  }
0x30: {  	s3 =	sld [smem:$0x3FA9]  }
0x31: {  	[smem:$0x3FB2] =	sst s10  }
0x32: {  	s10 =	sld [smem:$0x3FB0];
	_ =	sdelay $0x3  }
0x33: {  	p0 =	seq.s32 s10, $0x1;
	s10 =	sld [smem:$0x3FB2];
	_ =	sdelay $0x3  }
0x34: {  	[smem:$0x3FB2] =	sst s10  }
0x35: {  	s10 =	sld [smem:$0x3FB1];
	_ =	sdelay $0x3  }
0x36: {  	p1 =	seq.s32 s10, $0x1;
	s10 =	sld [smem:$0x3FB2];
	_ =	sdelay $0x3  }
0x37: {  	[smem:$0x3FB2] =	sst s10  }
0x38: {  	s10 =	sld [smem:$0x3FB3]  }
0x39: {  	_ = 	snop;
	(pc) =	sbr.ind lr, $3  }
0x3a: {  	_ = 	snop  }
0x3b: {  	_ = 	snop  }
0x3c: {  	p2 =	seq.s32 s10, $0x1;
	s10 =	sld [smem:$0x3FB2]  }
0x3d: {  	_ =	shalt  }
0x3e: {  	_ =	shalt  }
0x3f: {  	_ =	shalt  }
0x40: {  	_ =	shalt  }
0x41: {  	_ =	shalt  }
0x42: {  	_ =	shalt  }
0x43: {  	_ =	shalt  }
0x44: {  	_ =	shalt  }
0x45: {  	_ =	shalt  }
0x46: {  	_ =	shalt  }
0x47: {  	_ =	shalt  }
0x48: {  	_ =	shalt  }
0x49: {  	_ =	shalt  }
0x4a: {  	_ =	shalt  }
0x4b: {  	_ =	shalt  }
0x4c: {  	_ =	shalt  }
0x4d: {  	_ =	shalt  }
0x4e: {  	_ =	shalt  }
0x4f: {  	_ =	shalt  }
0x50: {  	_ =	shalt  }
0x51: {  	_ =	shalt  }
0x52: {  	_ =	shalt  }
0x53: {  	_ =	shalt  }
0x54: {  	_ =	shalt  }
0x55: {  	_ =	shalt  }
0x56: {  	_ =	shalt  }
0x57: {  	_ =	shalt  }
0x58: {  	_ =	shalt  }
0x59: {  	_ =	shalt  }
0x5a: {  	_ =	shalt  }
0x5b: {  	_ =	shalt  }
0x5c: {  	_ =	shalt  }
0x5d: {  	_ =	shalt  }
0x5e: {  	_ =	shalt  }
0x5f: {  	_ =	shalt  }
0x60: {  	_ =	shalt  }
0x61: {  	_ =	shalt  }
0x62: {  	_ =	shalt  }
0x63: {  	_ =	shalt  }
0x64: {  	_ =	shalt  }
0x65: {  	_ =	shalt  }
0x66: {  	_ =	shalt  }
0x67: {  	_ =	shalt  }
0x68: {  	_ =	shalt  }
0x69: {  	_ =	shalt  }
0x6a: {  	_ =	shalt  }
0x6b: {  	_ =	shalt  }
0x6c: {  	_ =	shalt  }
0x6d: {  	_ =	shalt  }
0x6e: {  	_ =	shalt  }
0x6f: {  	_ =	shalt  }
0x70: {  	_ =	shalt  }
0x71: {  	_ =	shalt  }
0x72: {  	_ =	shalt  }
0x73: {  	_ =	shalt  }
0x74: {  	_ =	shalt  }
0x75: {  	_ =	shalt  }
0x76: {  	_ =	shalt  }
0x77: {  	_ =	shalt  }
0x78: {  	_ =	shalt  }
0x79: {  	_ =	shalt  }
0x7a: {  	_ =	shalt  }
0x7b: {  	_ =	shalt  }
0x7c: {  	_ =	shalt  }
0x7d: {  	_ =	shalt  }
0x7e: {  	_ =	shalt  }
0x7f: {  	_ =	shalt  }
0x80: {  	_ =	shalt  }
0x81: {  	_ =	shalt  }
0x82: {  	_ =	shalt  }
0x83: {  	_ =	shalt  }
0x84: {  	_ =	shalt  }
0x85: {  	_ =	shalt  }
0x86: {  	_ =	shalt  }
0x87: {  	_ =	shalt  }
.Lfunc_end0:
.L_simem_size_0:
called_computation_lowered:
.L_overlay_start_0:
0x88: {  	s2 =	sld [smem:$0x3FD9]  }
0x89: {  	s3 =	sld [smem:$0x3FFE];
	_ =	sdelay $0x1  }
0x8a: {  	s1 =	srdreg.scid  }
0x8b: {  	s0 =	sand.u32 $0x1, s1  }
0x8c: {  	s17 =	sshll.u32 s0, $0xA;
	s2 =	sadd.s32 s3, s2  }
0x8d: {  	s2 =	sadd.s32 s2, s17  }
0x8e: {  	[smem:$0x3FBE] =	sst s2  }
0x8f: {  	_ = 	snop  }
0x90: {  	s2 =	sld [smem:$0x3FC9]  }
0x91: {  	s18 =	sld [smem:$0x3FD0];
	(tm) =	ssettm $0x1  }
0x92: {  	s4 =	sld [smem:$0x3FFB];
	_ =	sdelay $0x3  }
0x93: {  	_ =	strace s4  }
0x94: {  	s4 =	sld [smem:$0x3FFC];
	_ =	sdelay $0x3  }
0x95: {  	_ =	strace s4  }
0x96: {  	s4 =	sld [smem:$0x3FFD];
	_ =	sdelay $0x3  }
0x97: {  	_ =	strace s4  }
0x98: {  	_ =	strace $0x8FFFFFFF  }
0x99: {  	s19 =	sld [smem:$0x3FDB];
	_ =	sdelay $0x1  }
0x9a: {  	s5 =	simm.s32 $_scs_section_size  }
0x9b: {  	s6 =	simm.s32 $_size__tile_overlayer_lowered;
	s7 =	simm.s32 $_tile_overlayer_lowered  }
0x9c: {  	s22 =	simm.s32 $0x1BFF;
	s21 =	sshll.u32 s7, $0x1;
	s4 =	sadd.s32 s5, s19  }
0x9d: {  	s8 =	simm.s32 $0x0;
	s20 =	sshll.u32 s6, $0x1;
	s6 =	sadd.s32 s21, s4  }
0x9e: {  	[timem:s8], [sflag:s22] =	dma.local [hbm:s6], s20  }
0x9f: {  	_ =	swait.ge [sflag:s22], s20  }
0xa0: {  	s5 =	ssub.s32 $0x0, s20;
	[sflag:s22] =	ssyncset.done $0x0  }
0xa1: {  	[sflag:s22] =	ssyncadd.s32 s5;
	_ =	sdelay $0x1  }
0xa2: {  	s23 =	simm.s32 $0x1B8B  }
0xa3: {  	_ =	swait.ge [sflag:s23], $0x1  }
0xa4: {  	[sflag:s23] =	ssyncset.done $0x0  }
0xa5: {  	s25 =	simm.s32 $0x1B8E;
	s24 =	sld [smem:$0x3FFE];
	[sflag:s23] =	ssyncadd.s32 $0xFFFFFFFF  }
0xa6: {  	s26 =	simm.s32 $execute0_lowered;
	[smem:$0x3FD2] =	sst s25  }
0xa7: {  	s6 =	sshll.u32 s26, $0x1;
	_ =	strace $0x80000046;
	[dreg:$0x1] =	wrdreg $0xFFFFFFFF  }
0xa8: {  	s28 =	simm.s32 $_size_execute0_lowered;
	s4 =	sadd.s32 s4, s6;
	[dreg:$0x0] =	wrdreg $0x0  }
0xa9: {  	s6 =	sshll.u32 s28, $0x1;
	[dreg:$0x2] =	wrdreg s4  }
0xaa: {  	[dreg:$0x3] =	wrdreg s6  }
0xab: {  	[dreg:$0x4] =	wrdreg $0xC0  }
0xac: {  	_ =	task [dreg:s8], $0x5FFFF  }
0xad: {  	[dreg:$0x1] =	wrdreg $0xFFFFFFFF  }
0xae: {  	[dreg:$0x0] =	wrdreg $0x60  }
0xaf: {  	[dreg:$0x2] =	wrdreg s2  }
0xb0: {  	[dreg:$0x3] =	wrdreg s18  }
0xb1: {  	[dreg:$0x4] =	wrdreg s24  }
0xb2: {  	[dreg:$0x5] =	wrdreg $0x0  }
0xb3: {  	[dreg:$0x6] =	wrdreg $0x9  }
0xb4: {  	_ =	task.clear_ibuf [dreg:s8], $0x7FFFF;
	_ =	strace $0x90000046  }
0xb5: {  	s29 =	simm.s32 $0x9;
	_ =	strace $0x80000048  }
0xb6: {  	_ =	swait.ge [sflag:s29], $0x1  }
0xb7: {  	[sflag:s29] =	ssyncadd.s32 $0xFFFFFFFF  }
0xb8: {  	_ =	strace $0x90000048  }
0xb9: {  	_ =	sfence  }
0xba: {  	s30 =	sld [smem:$0x0];
	_ =	sdelay $0x2  }
0xbb: {  	s31 =	sshll.u32 s1, $0xD;
	s1 =	sshrl.u32 s1, $0x2  }
0xbc: {  	s3 =	sand.u32 $0x4000, s31;
	s1 =	sadd.s32 s1, s30  }
0xbd: {  	s0 =	sor.u32 s3, s0;
	s1 =	sshll.u32 s1, $0x11  }
0xbe: {  	s0 =	sor.u32 s1, s0  }
0xbf: {  	s0 =	sadd.s32 $0x8F2B, s0  }
0xc0: {  	[sflag:s0] =	ssyncadd.remote.s32 $0x1  }
0xc1: {  	_ =	sfence.sel $0xFFFF  }
0xc2: {  	[dreg:$0x0] =	wrdreg $0xFFFFFFFF;
	(pc) =	sbr.abs _section_cstart, $3  }
0xc3: {  	[dreg:$0x1] =	wrdreg $0xFFFFFFFF  }
0xc4: {  	_ =	task.clear_ibuf [dreg:s8], $0x2FFFF;
	_ =	strace $0x9FFFFFFF  }
0xc5: {  	(tm) =	ssettm $0x7FFFFFFF  }
tec
execute0_lowered:
.L_overlay_start_1:
0x0: {  	(tag) =	ssettag $0x1  }
0x1: {  	s1 =	rddreg [dreg:$0x0]  }
0x2: {  	s0 =	rddreg [dreg:$0x1]  }
0x3: {  	s4 =	rddreg [dreg:$0x2]  }
0x4: {  	s2 =	rddreg [dreg:$0x3]  }
0x5: {  	s3 =	simm.s32 $0x0;
	s8 =	srdreg.scid;
	s16 =	stileid.u32  }
0x6: {  	s28 =	simm.s32 $0x1AC00;
	s29 =	simm.s32 $0x1;
	s30 =	simm.s32 $0x2  }
0x7: {  	s31 =	simm.s32 $0x3;
	[smem:$0x7FF] =	sst s3;
	s7 =	sadd.s32 $0x1200, s4  }
0x8: {  	s5 =	sadd.s32 $0x15600, s4;
	s6 =	sadd.s32 $0x15200, s4;
	s18 =	smul.u32 $0x4F000, s16  }
0x9: {  	s9 =	sadd.s32 $0x2BE00, s4;
	s10 =	sand.u32 $0x1, s8;
	s13 =	smul.u32 $0x2800, s16  }
0xa: {  	s11 =	sadd.s32 $0x17E00, s4;
	s19 =	sshll.u32 s16, $0x6;
	s16 =	smul.u32 $0x13C00, s16  }
0xb: {  	s4 =	sadd.s32 $0x17E10, s4;
	_ =	strace $0x80000047;
	s15 =	smul.u32 $0x50000, s10  }
0xc: {  	s12 =	ssub.s32 $0x2, s10;
	s21 =	smul.u32 $0x278000, s10;
	s10 =	sshllo.u32 s10, $0x1  }
0xd: {  	s14 =	sshrl.u32 s12, $0x1;
	s8 =	sshrl.u32 s18, $0x2;
	s23 =	smul.u32 $0x28000, s10  }
0xe: {  	s10 =	smul.u32 $0x13C000, s10;
	s12 =	ssub.s32 s12, s14;
	s8 =	sadd.s32 s8, s2  }
0xf: {  	s20 =	sadd.s32 s13, s15;
	s15 =	sadd.s32 s16, s21;
	s21 =	simm.s32 $0x13C00  }
0x10: {  	[dreg:$0x5] =	wrdreg s8;
	s8 =	sor.u32 $0x1C05, s19;
	s14 =	sshrl.u32 s20, $0x3  }
0x11: {  	s15 =	sshrl.u32 s15, $0x3;
	s26 =	sadd.s32 s16, s10;
	s17 =	sadd.s32 s0, s14  }
0x12: {  	s19 =	smax.u32 s12, $0x1;
	s22 =	sadd.s32 s7, s14;
	[dreg:$0x6] =	wrdreg s17  }
0x13: {  	s20 =	simm.s32 $0x5;
	s18 =	sadd.s32 s11, s14;
	[dreg:$0x7] =	wrdreg s22  }
0x14: {  	s10 =	simm.s32 $0x0;
	s24 =	sadd.s32 s14, s4;
	[dreg:$0x8] =	wrdreg s18  }
0x15: {  	s25 =	sadd.s32 s9, s15;
	s17 =	sadd.s32 s13, s23;
	[dreg:$0x9] =	wrdreg s24  }
0x16: {  	[dreg:$0xa] =	wrdreg s25;
	s22 =	simm.s32 $0x16400;
	s23 =	simm.s32 $0x1CC00  }
0x17: {  	s24 =	simm.s32 $0x40;
	s25 =	simm.s32 $0x18C00;
	s17 =	sshrl.u32 s17, $0x3  }
0x18: {  	s0 =	sadd.s32 s0, s17;
	s15 =	sadd.s32 s7, s17;
	s16 =	sadd.s32 s11, s17  }
0x19: {  	s17 =	sadd.s32 s17, s4;
	s4 =	simm.s32 $0x18B80;
	s7 =	simm.s32 $0x80  }
0x1a: {  	[dreg:$0xb] =	wrdreg s0;
	s0 =	sshrl.u32 s26, $0x3;
	s26 =	simm.s32 $0x13C80  }
0x1b: {  	v0 =	vimm.f32 $1.000000000e+00;
	s18 =	sadd.s32 s9, s0;
	s0 =	simm.s32 $0x4;
	s9 =	simm.s32 $0x100  }
.LBB2_1:
0x1c: {  	s11 =	rddreg [dreg:$0x5]  }
0x1d: {  	s11 =	sshrl.u32 s11, $0x3  }
0x1e: {  	[spmem:s11], [sflag:s8] =	dma.local [hbm:s5], $0x2780  }
0x1f: {  	_ =	swait.ge [sflag:s20], $0x2780  }
0x20: {  	[sflag:s20] =	ssyncset.done $0x0  }
0x21: {  	s12 =	rddreg [dreg:$0x6];
	[sflag:s20] =	ssyncadd.s32 $0xFFFFD880  }
0x22: {  	[tilespmem:s21], [sflag:$0x5] =	stream.linear.gather [hbm4b:s12+s3], $0x2800, $0x38;
	[tilespmem:$0x1E000] =	vst v63  }
0x23: {  	_ =	swait.ge [sflag:s20], $0x2800  }
0x24: {  	[sflag:s20] =	ssyncset.done $0x0  }
0x25: {  	s14 =	rddreg [dreg:$0x7];
	[sflag:s20] =	ssyncadd.s32 $0xFFFFD800  }
0x26: {  	[tilespmem:s22], [sflag:$0x5] =	stream.linear.gather [hbm4b:s14+s3], $0x2800, $0x38;
	[tilespmem:$0x1E000] =	vst v63  }
0x27: {  	_ =	swait.ge [sflag:s20], $0x2800  }
0x28: {  	[sflag:s20] =	ssyncset.done $0x0  }
0x29: {  	[sflag:s20] =	ssyncadd.s32 $0xFFFFD800  }
0x2a: {  	[tilespmem:s23], [sflag:$0x5] =	stream.linear.gather [hbm4b:s6+s3], $0x1400, $0x38;
	[tilespmem:$0x1E000] =	vst v63  }
0x2b: {  	_ =	swait.ge [sflag:s20], $0x1400  }
0x2c: {  	[sflag:s20] =	ssyncset.done $0x0  }
0x2d: {  	[sflag:s20] =	ssyncadd.s32 $0xFFFFEC00  }
0x2e: {  	[bflag:$0x0] =	sbarrier.arrive $0xFFFF  }
0x2f: {  	[tilespmem:s25], [sflag:$0x1] =	stream.indirect.gather [hbm4b:s1+s24], $0x80, s21, s24, $0xb8;
	[tilespmem:$0x1E000] =	vst v63  }
0x30: {  	_ = 	snop  }
0x31: {  	[tilespmem:s28], [sflag:$0x2] =	stream.indirect.gather [hbm4b:s1+s24], $0x80, s26, s24, $0xb8;
	[tilespmem:$0x1E000] =	vst v63  }
0x32: {  	_ =	swait.ge [sflag:s29], $0x2000  }
0x33: {  	[sflag:s29] =	ssyncset.done $0x0  }
0x34: {  	s12 =	simm.s32 $0x0;
	[sflag:s29] =	ssyncadd.s32 $0xFFFFE000  }
0x35: {  	[spmem:s2] =	stream.indirect.scatter.add.f32 [tilespmem:s25], [sflag:$0x3], $0x80, s22, s24, $0xb8;
	[tilespmem:$0x1E000] =	vst v63  }
.LBB2_2:
0x36: {  	_ =	swait.ge [sflag:s30], $0x2000  }
0x37: {  	[sflag:s30] =	ssyncset.done $0x0  }
0x38: {  	[sflag:s30] =	ssyncadd.s32 $0xFFFFE000  }
0x39: {  	_ =	swait.ge [sflag:s31], $0x2000  }
0x3a: {  	s13 =	sshra.s32 s12, $0x2;
	[sflag:s31] =	ssyncset.done $0x0  }
0x3b: {  	s14 =	sadd.s32 $0x16480, s13;
	[sflag:s31] =	ssyncadd.s32 $0xFFFFE000  }
0x3c: {  	[spmem:s2] =	stream.indirect.scatter.add.f32 [tilespmem:s28], [sflag:$0x4], $0x80, s14, s24, $0xb8;
	[tilespmem:$0x1E000] =	vst v63  }
0x3d: {  	s14 =	sadd.s32 $0x13D00, s13  }
0x3e: {  	[tilespmem:s25], [sflag:$0x1] =	stream.indirect.gather [hbm4b:s1+s24], $0x80, s14, s24, $0xb8;
	[tilespmem:$0x1E000] =	vst v63  }
0x3f: {  	v1 =	vld [tilespmem:s13+$0x16400];
	_ =	sdelay $0x4  }
0x40: {  	vm0 =	vlt.u32 v1, $0x13C0  }
0x41: {  	v1 =	vnsel vm0, $0x0, v1;
	_ =	sdelay $0x4  }
0x42: {  	[tilespmem:v1+s23+$0x0] =	vst.idx.add.f32.msk vm0, v0  }
0x43: {  	v1 =	vld [tilespmem:s13+$0x16410];
	_ =	sdelay $0x4  }
0x44: {  	vm9 =	vlt.u32 v1, $0x13C0  }
0x45: {  	v1 =	vnsel vm9, $0x0, v1;
	_ =	sdelay $0x4  }
0x46: {  	[tilespmem:v1+s23+$0x0] =	vst.idx.add.f32.msk vm9, v0  }
0x47: {  	v1 =	vld [tilespmem:s13+$0x16420];
	_ =	sdelay $0x4  }
0x48: {  	vm10 =	vlt.u32 v1, $0x13C0  }
0x49: {  	v1 =	vnsel vm10, $0x0, v1;
	_ =	sdelay $0x4  }
0x4a: {  	[tilespmem:v1+s23+$0x0] =	vst.idx.add.f32.msk vm10, v0  }
0x4b: {  	v1 =	vld [tilespmem:s13+$0x16430];
	_ =	sdelay $0x4  }
0x4c: {  	vm11 =	vlt.u32 v1, $0x13C0  }
0x4d: {  	v1 =	vnsel vm11, $0x0, v1;
	_ =	sdelay $0x4  }
0x4e: {  	[tilespmem:v1+s23+$0x0] =	vst.idx.add.f32.msk vm11, v0  }
0x4f: {  	_ =	swait.ge [sflag:s29], $0x2000  }
0x50: {  	[sflag:s29] =	ssyncset.done $0x0  }
0x51: {  	[sflag:s29] =	ssyncadd.s32 $0xFFFFE000  }
0x52: {  	_ =	swait.ge [sflag:s0], $0x2000  }
0x53: {  	[sflag:s0] =	ssyncset.done $0x0  }
0x54: {  	s14 =	sadd.s32 $0x16500, s13;
	[sflag:s0] =	ssyncadd.s32 $0xFFFFE000  }
0x55: {  	[spmem:s2] =	stream.indirect.scatter.add.f32 [tilespmem:s25], [sflag:$0x3], $0x80, s14, s24, $0xb8;
	[tilespmem:$0x1E000] =	vst v63  }
0x56: {  	s14 =	sadd.s32 $0x13D80, s13  }
0x57: {  	[tilespmem:s28], [sflag:$0x2] =	stream.indirect.gather [hbm4b:s1+s24], $0x80, s14, s24, $0xb8;
	[tilespmem:$0x1E000] =	vst v63  }
0x58: {  	v1 =	vld [tilespmem:s13+$0x16480];
	_ =	sdelay $0x4  }
0x59: {  	vm12 =	vlt.u32 v1, $0x13C0  }
0x5a: {  	v1 =	vnsel vm12, $0x0, v1;
	_ =	sdelay $0x4  }
0x5b: {  	[tilespmem:v1+s23+$0x0] =	vst.idx.add.f32.msk vm12, v0  }
0x5c: {  	v1 =	vld [tilespmem:s13+$0x16490];
	_ =	sdelay $0x4  }
0x5d: {  	vm13 =	vlt.u32 v1, $0x13C0  }
0x5e: {  	v1 =	vnsel vm13, $0x0, v1;
	_ =	sdelay $0x4  }
0x5f: {  	[tilespmem:v1+s23+$0x0] =	vst.idx.add.f32.msk vm13, v0  }
0x60: {  	v1 =	vld [tilespmem:s13+$0x164A0];
	_ =	sdelay $0x4  }
0x61: {  	vm14 =	vlt.u32 v1, $0x13C0  }
0x62: {  	v1 =	vnsel vm14, $0x0, v1;
	_ =	sdelay $0x4  }
0x63: {  	[tilespmem:v1+s23+$0x0] =	vst.idx.add.f32.msk vm14, v0  }
0x64: {  	v1 =	vld [tilespmem:s13+$0x164B0];
	_ =	sdelay $0x4  }
0x65: {  	vm15 =	vlt.u32 v1, $0x13C0  }
0x66: {  	p0 =	sne.s32 s12, $0x9800;
	v1 =	vnsel vm15, $0x0, v1  }
.Ltmp0:
0x67: {  	_ = 	snop;
	(pc) =	sbr.rel @p0 .LBB2_2-.Ltmp0, $2  }
0x68: {  	_ =	sdelay $0x2  }
0x69: {  	s12 =	sadd.s32 $0x400, s12;
	[tilespmem:v1+s23+$0x0] =	vst.idx.add.f32.msk vm15, v0  }
0x6a: {  	_ =	swait.ge [sflag:s30], $0x2000  }
0x6b: {  	[sflag:s30] =	ssyncset.done $0x0  }
0x6c: {  	[sflag:s30] =	ssyncadd.s32 $0xFFFFE000  }
0x6d: {  	_ =	swait.ge [sflag:s31], $0x2000  }
0x6e: {  	[sflag:s31] =	ssyncset.done $0x0  }
0x6f: {  	[sflag:s31] =	ssyncadd.s32 $0xFFFFE000  }
0x70: {  	[spmem:s2] =	stream.indirect.scatter.add.f32 [tilespmem:s28], [sflag:$0x4], $0x80, s4, s24, $0xb8;
	[tilespmem:$0x1E000] =	vst v63  }
0x71: {  	v1 =	vld [tilespmem:$0x18B00];
	_ =	sdelay $0x4  }
0x72: {  	vm0 =	vlt.u32 v1, $0x13C0  }
0x73: {  	v1 =	vnsel vm0, $0x0, v1;
	_ =	sdelay $0x4  }
0x74: {  	[tilespmem:v1+s23+$0x0] =	vst.idx.add.f32.msk vm0, v0  }
0x75: {  	v1 =	vld [tilespmem:$0x18B10];
	_ =	sdelay $0x4  }
0x76: {  	vm9 =	vlt.u32 v1, $0x13C0  }
0x77: {  	v1 =	vnsel vm9, $0x0, v1;
	_ =	sdelay $0x4  }
0x78: {  	[tilespmem:v1+s23+$0x0] =	vst.idx.add.f32.msk vm9, v0  }
0x79: {  	v1 =	vld [tilespmem:$0x18B20];
	_ =	sdelay $0x4  }
0x7a: {  	vm10 =	vlt.u32 v1, $0x13C0  }
0x7b: {  	v1 =	vnsel vm10, $0x0, v1;
	_ =	sdelay $0x4  }
0x7c: {  	[tilespmem:v1+s23+$0x0] =	vst.idx.add.f32.msk vm10, v0  }
0x7d: {  	v1 =	vld [tilespmem:$0x18B30];
	_ =	sdelay $0x4  }
0x7e: {  	vm11 =	vlt.u32 v1, $0x13C0  }
0x7f: {  	v1 =	vnsel vm11, $0x0, v1;
	_ =	sdelay $0x4  }
0x80: {  	[tilespmem:v1+s23+$0x0] =	vst.idx.add.f32.msk vm11, v0  }
0x81: {  	v1 =	vld [tilespmem:$0x18B80];
	_ =	sdelay $0x4  }
0x82: {  	vm12 =	vlt.u32 v1, $0x13C0  }
0x83: {  	v1 =	vnsel vm12, $0x0, v1;
	_ =	sdelay $0x4  }
0x84: {  	[tilespmem:v1+s23+$0x0] =	vst.idx.add.f32.msk vm12, v0  }
0x85: {  	v1 =	vld [tilespmem:$0x18B90];
	_ =	sdelay $0x4  }
0x86: {  	vm13 =	vlt.u32 v1, $0x13C0  }
0x87: {  	v1 =	vnsel vm13, $0x0, v1;
	_ =	sdelay $0x4  }
0x88: {  	[tilespmem:v1+s23+$0x0] =	vst.idx.add.f32.msk vm13, v0  }
0x89: {  	v1 =	vld [tilespmem:$0x18BA0];
	_ =	sdelay $0x4  }
0x8a: {  	vm14 =	vlt.u32 v1, $0x13C0  }
0x8b: {  	v1 =	vnsel vm14, $0x0, v1;
	_ =	sdelay $0x4  }
0x8c: {  	[tilespmem:v1+s23+$0x0] =	vst.idx.add.f32.msk vm14, v0  }
0x8d: {  	v1 =	vld [tilespmem:$0x18BB0];
	_ =	sdelay $0x4  }
0x8e: {  	vm15 =	vlt.u32 v1, $0x13C0  }
0x8f: {  	v1 =	vnsel vm15, $0x0, v1;
	_ =	sdelay $0x4  }
0x90: {  	[tilespmem:v1+s23+$0x0] =	vst.idx.add.f32.msk vm15, v0  }
0x91: {  	_ =	swait.ge [sflag:s0], $0x2000  }
0x92: {  	[sflag:s0] =	ssyncset.done $0x0  }
0x93: {  	s12 =	rddreg [dreg:$0x8];
	[sflag:s0] =	ssyncadd.s32 $0xFFFFE000  }
0x94: {  	[hbm4b:s12+s7] =	stream.strided.scatter [tilespmem:s23], [sflag:$0x5], $0x1400, s9, s7, $0x38;
	[tilespmem:$0x1E000] =	vst v63  }
0x95: {  	_ =	swait.ge [sflag:s20], $0x1400  }
0x96: {  	[sflag:s20] =	ssyncset.done $0x0  }
0x97: {  	s12 =	simm.s32 $0x0;
	[sflag:s20] =	ssyncadd.s32 $0xFFFFEC00  }
0x98: {  	[tilespmem:s23], [sflag:$0x5] =	stream.linear.gather [hbm4b:s6+s12], $0x1400, $0x38;
	[tilespmem:$0x1E000] =	vst v63  }
0x99: {  	_ =	swait.ge [sflag:s20], $0x1400  }
0x9a: {  	[sflag:s20] =	ssyncset.done $0x0  }
0x9b: {  	[sflag:s20] =	ssyncadd.s32 $0xFFFFEC00  }
.LBB2_4:
0x9c: {  	s13 =	sshra.s32 s12, $0x2  }
0x9d: {  	v1 =	vld [tilespmem:s13+$0x16400];
	_ =	sdelay $0x4  }
0x9e: {  	v1 =	vadd.s32 $0xFFFFEC40, v1  }
0x9f: {  	vm0 =	vlt.u32 v1, $0x13C0  }
0xa0: {  	v1 =	vnsel vm0, $0x0, v1;
	_ =	sdelay $0x4  }
0xa1: {  	[tilespmem:v1+s23+$0x0] =	vst.idx.add.f32.msk vm0, v0  }
0xa2: {  	v1 =	vld [tilespmem:s13+$0x16410];
	_ =	sdelay $0x4  }
0xa3: {  	v1 =	vadd.s32 $0xFFFFEC40, v1  }
0xa4: {  	vm13 =	vlt.u32 v1, $0x13C0  }
0xa5: {  	v1 =	vnsel vm13, $0x0, v1;
	_ =	sdelay $0x4  }
0xa6: {  	[tilespmem:v1+s23+$0x0] =	vst.idx.add.f32.msk vm13, v0  }
0xa7: {  	v1 =	vld [tilespmem:s13+$0x16420];
	_ =	sdelay $0x4  }
0xa8: {  	v1 =	vadd.s32 $0xFFFFEC40, v1  }
0xa9: {  	vm14 =	vlt.u32 v1, $0x13C0  }
0xaa: {  	v1 =	vnsel vm14, $0x0, v1;
	_ =	sdelay $0x4  }
0xab: {  	[tilespmem:v1+s23+$0x0] =	vst.idx.add.f32.msk vm14, v0  }
0xac: {  	v1 =	vld [tilespmem:s13+$0x16430];
	_ =	sdelay $0x4  }
0xad: {  	v1 =	vadd.s32 $0xFFFFEC40, v1  }
0xae: {  	vm15 =	vlt.u32 v1, $0x13C0  }
0xaf: {  	p0 =	sne.s32 s12, $0x9E00;
	v1 =	vnsel vm15, $0x0, v1  }
.Ltmp1:
0xb0: {  	_ = 	snop;
	(pc) =	sbr.rel @p0 .LBB2_4-.Ltmp1, $2  }
0xb1: {  	_ =	sdelay $0x2  }
0xb2: {  	s12 =	sadd.s32 $0x200, s12;
	[tilespmem:v1+s23+$0x0] =	vst.idx.add.f32.msk vm15, v0  }
0xb3: {  	s12 =	rddreg [dreg:$0x9]  }
0xb4: {  	[hbm4b:s12+s7] =	stream.strided.scatter [tilespmem:s23], [sflag:$0x5], $0x1400, s9, s7, $0x38;
	[tilespmem:$0x1E000] =	vst v63  }
0xb5: {  	_ =	swait.ge [sflag:s20], $0x1400  }
0xb6: {  	[sflag:s20] =	ssyncset.done $0x0  }
0xb7: {  	[sflag:s20] =	ssyncadd.s32 $0xFFFFEC00  }
0xb8: {  	[bflag:$0x0] =	sbarrier.arrive $0xFFFF  }
0xb9: {  	s14 =	rddreg [dreg:$0xa]  }
0xba: {  	[hbm:s14], [sflag:s8] =	dma.local [spmem:s11], $0x2780  }
0xbb: {  	_ =	swait.ge [sflag:s20], $0x2780  }
0xbc: {  	[sflag:s20] =	ssyncset.done $0x0  }
0xbd: {  	[sflag:s20] =	ssyncadd.s32 $0xFFFFD880  }
0xbe: {  	[spmem:s11], [sflag:s8] =	dma.local [hbm:s5], $0x2780  }
0xbf: {  	_ =	swait.ge [sflag:s20], $0x2780  }
0xc0: {  	[sflag:s20] =	ssyncset.done $0x0  }
0xc1: {  	s12 =	simm.s32 $0x0;
	s13 =	rddreg [dreg:$0xb];
	[sflag:s20] =	ssyncadd.s32 $0xFFFFD880  }
0xc2: {  	[tilespmem:s21], [sflag:$0x5] =	stream.linear.gather [hbm4b:s13+s12], $0x2800, $0x38;
	[tilespmem:$0x1E000] =	vst v63  }
0xc3: {  	_ =	swait.ge [sflag:s20], $0x2800  }
0xc4: {  	[sflag:s20] =	ssyncset.done $0x0  }
0xc5: {  	[sflag:s20] =	ssyncadd.s32 $0xFFFFD800  }
0xc6: {  	[tilespmem:s22], [sflag:$0x5] =	stream.linear.gather [hbm4b:s15+s12], $0x2800, $0x38;
	[tilespmem:$0x1E000] =	vst v63  }
0xc7: {  	_ =	swait.ge [sflag:s20], $0x2800  }
0xc8: {  	[sflag:s20] =	ssyncset.done $0x0  }
0xc9: {  	[sflag:s20] =	ssyncadd.s32 $0xFFFFD800  }
0xca: {  	[tilespmem:s23], [sflag:$0x5] =	stream.linear.gather [hbm4b:s6+s12], $0x1400, $0x38;
	[tilespmem:$0x1E000] =	vst v63  }
0xcb: {  	_ =	swait.ge [sflag:s20], $0x1400  }
0xcc: {  	[sflag:s20] =	ssyncset.done $0x0  }
0xcd: {  	[sflag:s20] =	ssyncadd.s32 $0xFFFFEC00  }
0xce: {  	[bflag:$0x0] =	sbarrier.arrive $0xFFFF  }
0xcf: {  	[tilespmem:s25], [sflag:$0x1] =	stream.indirect.gather [hbm4b:s1+s24], $0x80, s21, s24, $0xb8;
	[tilespmem:$0x1E000] =	vst v63  }
0xd0: {  	_ = 	snop  }
0xd1: {  	[tilespmem:s28], [sflag:$0x2] =	stream.indirect.gather [hbm4b:s1+s24], $0x80, s26, s24, $0xb8;
	[tilespmem:$0x1E000] =	vst v63  }
0xd2: {  	_ =	swait.ge [sflag:s29], $0x2000  }
0xd3: {  	[sflag:s29] =	ssyncset.done $0x0  }
0xd4: {  	[sflag:s29] =	ssyncadd.s32 $0xFFFFE000  }
0xd5: {  	[spmem:s2] =	stream.indirect.scatter.add.f32 [tilespmem:s25], [sflag:$0x3], $0x80, s22, s24, $0xb8;
	[tilespmem:$0x1E000] =	vst v63  }
.LBB2_6:
0xd6: {  	_ =	swait.ge [sflag:s30], $0x2000  }
0xd7: {  	[sflag:s30] =	ssyncset.done $0x0  }
0xd8: {  	[sflag:s30] =	ssyncadd.s32 $0xFFFFE000  }
0xd9: {  	_ =	swait.ge [sflag:s31], $0x2000  }
0xda: {  	s13 =	sshra.s32 s12, $0x2;
	[sflag:s31] =	ssyncset.done $0x0  }
0xdb: {  	s14 =	sadd.s32 $0x16480, s13;
	[sflag:s31] =	ssyncadd.s32 $0xFFFFE000  }
0xdc: {  	[spmem:s2] =	stream.indirect.scatter.add.f32 [tilespmem:s28], [sflag:$0x4], $0x80, s14, s24, $0xb8;
	[tilespmem:$0x1E000] =	vst v63  }
0xdd: {  	s14 =	sadd.s32 $0x13D00, s13  }
0xde: {  	[tilespmem:s25], [sflag:$0x1] =	stream.indirect.gather [hbm4b:s1+s24], $0x80, s14, s24, $0xb8;
	[tilespmem:$0x1E000] =	vst v63  }
0xdf: {  	v1 =	vld [tilespmem:s13+$0x16400];
	_ =	sdelay $0x4  }
0xe0: {  	vm0 =	vlt.u32 v1, $0x13C0  }
0xe1: {  	v1 =	vnsel vm0, $0x0, v1;
	_ =	sdelay $0x4  }
0xe2: {  	[tilespmem:v1+s23+$0x0] =	vst.idx.add.f32.msk vm0, v0  }
0xe3: {  	v1 =	vld [tilespmem:s13+$0x16410];
	_ =	sdelay $0x4  }
0xe4: {  	vm9 =	vlt.u32 v1, $0x13C0  }
0xe5: {  	v1 =	vnsel vm9, $0x0, v1;
	_ =	sdelay $0x4  }
0xe6: {  	[tilespmem:v1+s23+$0x0] =	vst.idx.add.f32.msk vm9, v0  }
0xe7: {  	v1 =	vld [tilespmem:s13+$0x16420];
	_ =	sdelay $0x4  }
0xe8: {  	vm10 =	vlt.u32 v1, $0x13C0  }
0xe9: {  	v1 =	vnsel vm10, $0x0, v1;
	_ =	sdelay $0x4  }
0xea: {  	[tilespmem:v1+s23+$0x0] =	vst.idx.add.f32.msk vm10, v0  }
0xeb: {  	v1 =	vld [tilespmem:s13+$0x16430];
	_ =	sdelay $0x4  }
0xec: {  	vm11 =	vlt.u32 v1, $0x13C0  }
0xed: {  	v1 =	vnsel vm11, $0x0, v1;
	_ =	sdelay $0x4  }
0xee: {  	[tilespmem:v1+s23+$0x0] =	vst.idx.add.f32.msk vm11, v0  }
0xef: {  	_ =	swait.ge [sflag:s29], $0x2000  }
0xf0: {  	[sflag:s29] =	ssyncset.done $0x0  }
0xf1: {  	[sflag:s29] =	ssyncadd.s32 $0xFFFFE000  }
0xf2: {  	_ =	swait.ge [sflag:s0], $0x2000  }
0xf3: {  	[sflag:s0] =	ssyncset.done $0x0  }
0xf4: {  	s14 =	sadd.s32 $0x16500, s13;
	[sflag:s0] =	ssyncadd.s32 $0xFFFFE000  }
0xf5: {  	[spmem:s2] =	stream.indirect.scatter.add.f32 [tilespmem:s25], [sflag:$0x3], $0x80, s14, s24, $0xb8;
	[tilespmem:$0x1E000] =	vst v63  }
0xf6: {  	s14 =	sadd.s32 $0x13D80, s13  }
0xf7: {  	[tilespmem:s28], [sflag:$0x2] =	stream.indirect.gather [hbm4b:s1+s24], $0x80, s14, s24, $0xb8;
	[tilespmem:$0x1E000] =	vst v63  }
0xf8: {  	v1 =	vld [tilespmem:s13+$0x16480];
	_ =	sdelay $0x4  }
0xf9: {  	vm12 =	vlt.u32 v1, $0x13C0  }
0xfa: {  	v1 =	vnsel vm12, $0x0, v1;
	_ =	sdelay $0x4  }
0xfb: {  	[tilespmem:v1+s23+$0x0] =	vst.idx.add.f32.msk vm12, v0  }
0xfc: {  	v1 =	vld [tilespmem:s13+$0x16490];
	_ =	sdelay $0x4  }
0xfd: {  	vm13 =	vlt.u32 v1, $0x13C0  }
0xfe: {  	v1 =	vnsel vm13, $0x0, v1;
	_ =	sdelay $0x4  }
0xff: {  	[tilespmem:v1+s23+$0x0] =	vst.idx.add.f32.msk vm13, v0  }
0x100: {  	v1 =	vld [tilespmem:s13+$0x164A0];
	_ =	sdelay $0x4  }
0x101: {  	vm14 =	vlt.u32 v1, $0x13C0  }
0x102: {  	v1 =	vnsel vm14, $0x0, v1;
	_ =	sdelay $0x4  }
0x103: {  	[tilespmem:v1+s23+$0x0] =	vst.idx.add.f32.msk vm14, v0  }
0x104: {  	v1 =	vld [tilespmem:s13+$0x164B0];
	_ =	sdelay $0x4  }
0x105: {  	vm15 =	vlt.u32 v1, $0x13C0  }
0x106: {  	p0 =	sne.s32 s12, $0x9800;
	v1 =	vnsel vm15, $0x0, v1  }
.Ltmp2:
0x107: {  	_ = 	snop;
	(pc) =	sbr.rel @p0 .LBB2_6-.Ltmp2, $2  }
0x108: {  	_ =	sdelay $0x2  }
0x109: {  	s12 =	sadd.s32 $0x400, s12;
	[tilespmem:v1+s23+$0x0] =	vst.idx.add.f32.msk vm15, v0  }
0x10a: {  	_ =	swait.ge [sflag:s30], $0x2000  }
0x10b: {  	[sflag:s30] =	ssyncset.done $0x0  }
0x10c: {  	[sflag:s30] =	ssyncadd.s32 $0xFFFFE000  }
0x10d: {  	_ =	swait.ge [sflag:s31], $0x2000  }
0x10e: {  	[sflag:s31] =	ssyncset.done $0x0  }
0x10f: {  	[sflag:s31] =	ssyncadd.s32 $0xFFFFE000  }
0x110: {  	[spmem:s2] =	stream.indirect.scatter.add.f32 [tilespmem:s28], [sflag:$0x4], $0x80, s4, s24, $0xb8;
	[tilespmem:$0x1E000] =	vst v63  }
0x111: {  	v1 =	vld [tilespmem:$0x18B00];
	_ =	sdelay $0x4  }
0x112: {  	vm0 =	vlt.u32 v1, $0x13C0  }
0x113: {  	v1 =	vnsel vm0, $0x0, v1;
	_ =	sdelay $0x4  }
0x114: {  	[tilespmem:v1+s23+$0x0] =	vst.idx.add.f32.msk vm0, v0  }
0x115: {  	v1 =	vld [tilespmem:$0x18B10];
	_ =	sdelay $0x4  }
0x116: {  	vm9 =	vlt.u32 v1, $0x13C0  }
0x117: {  	v1 =	vnsel vm9, $0x0, v1;
	_ =	sdelay $0x4  }
0x118: {  	[tilespmem:v1+s23+$0x0] =	vst.idx.add.f32.msk vm9, v0  }
0x119: {  	v1 =	vld [tilespmem:$0x18B20];
	_ =	sdelay $0x4  }
0x11a: {  	vm10 =	vlt.u32 v1, $0x13C0  }
0x11b: {  	v1 =	vnsel vm10, $0x0, v1;
	_ =	sdelay $0x4  }
0x11c: {  	[tilespmem:v1+s23+$0x0] =	vst.idx.add.f32.msk vm10, v0  }
0x11d: {  	v1 =	vld [tilespmem:$0x18B30];
	_ =	sdelay $0x4  }
0x11e: {  	vm11 =	vlt.u32 v1, $0x13C0  }
0x11f: {  	v1 =	vnsel vm11, $0x0, v1;
	_ =	sdelay $0x4  }
0x120: {  	[tilespmem:v1+s23+$0x0] =	vst.idx.add.f32.msk vm11, v0  }
0x121: {  	v1 =	vld [tilespmem:$0x18B80];
	_ =	sdelay $0x4  }
0x122: {  	vm12 =	vlt.u32 v1, $0x13C0  }
0x123: {  	v1 =	vnsel vm12, $0x0, v1;
	_ =	sdelay $0x4  }
0x124: {  	[tilespmem:v1+s23+$0x0] =	vst.idx.add.f32.msk vm12, v0  }
0x125: {  	v1 =	vld [tilespmem:$0x18B90];
	_ =	sdelay $0x4  }
0x126: {  	vm13 =	vlt.u32 v1, $0x13C0  }
0x127: {  	v1 =	vnsel vm13, $0x0, v1;
	_ =	sdelay $0x4  }
0x128: {  	[tilespmem:v1+s23+$0x0] =	vst.idx.add.f32.msk vm13, v0  }
0x129: {  	v1 =	vld [tilespmem:$0x18BA0];
	_ =	sdelay $0x4  }
0x12a: {  	vm14 =	vlt.u32 v1, $0x13C0  }
0x12b: {  	v1 =	vnsel vm14, $0x0, v1;
	_ =	sdelay $0x4  }
0x12c: {  	[tilespmem:v1+s23+$0x0] =	vst.idx.add.f32.msk vm14, v0  }
0x12d: {  	v1 =	vld [tilespmem:$0x18BB0];
	_ =	sdelay $0x4  }
0x12e: {  	vm15 =	vlt.u32 v1, $0x13C0  }
0x12f: {  	v1 =	vnsel vm15, $0x0, v1;
	_ =	sdelay $0x4  }
0x130: {  	[tilespmem:v1+s23+$0x0] =	vst.idx.add.f32.msk vm15, v0  }
0x131: {  	_ =	swait.ge [sflag:s0], $0x2000  }
0x132: {  	[sflag:s0] =	ssyncset.done $0x0  }
0x133: {  	[sflag:s0] =	ssyncadd.s32 $0xFFFFE000  }
0x134: {  	[hbm4b:s16+s7] =	stream.strided.scatter [tilespmem:s23], [sflag:$0x5], $0x1400, s9, s7, $0x38;
	[tilespmem:$0x1E000] =	vst v63  }
0x135: {  	_ =	swait.ge [sflag:s20], $0x1400  }
0x136: {  	[sflag:s20] =	ssyncset.done $0x0  }
0x137: {  	s12 =	simm.s32 $0x0;
	[sflag:s20] =	ssyncadd.s32 $0xFFFFEC00  }
0x138: {  	[tilespmem:s23], [sflag:$0x5] =	stream.linear.gather [hbm4b:s6+s12], $0x1400, $0x38;
	[tilespmem:$0x1E000] =	vst v63  }
0x139: {  	_ =	swait.ge [sflag:s20], $0x1400  }
0x13a: {  	[sflag:s20] =	ssyncset.done $0x0  }
0x13b: {  	[sflag:s20] =	ssyncadd.s32 $0xFFFFEC00  }
.LBB2_8:
0x13c: {  	s13 =	sshra.s32 s12, $0x2  }
0x13d: {  	v1 =	vld [tilespmem:s13+$0x16400];
	_ =	sdelay $0x4  }
0x13e: {  	v1 =	vadd.s32 $0xFFFFEC40, v1  }
0x13f: {  	vm0 =	vlt.u32 v1, $0x13C0  }
0x140: {  	v1 =	vnsel vm0, $0x0, v1;
	_ =	sdelay $0x4  }
0x141: {  	[tilespmem:v1+s23+$0x0] =	vst.idx.add.f32.msk vm0, v0  }
0x142: {  	v1 =	vld [tilespmem:s13+$0x16410];
	_ =	sdelay $0x4  }
0x143: {  	v1 =	vadd.s32 $0xFFFFEC40, v1  }
0x144: {  	vm13 =	vlt.u32 v1, $0x13C0  }
0x145: {  	v1 =	vnsel vm13, $0x0, v1;
	_ =	sdelay $0x4  }
0x146: {  	[tilespmem:v1+s23+$0x0] =	vst.idx.add.f32.msk vm13, v0  }
0x147: {  	v1 =	vld [tilespmem:s13+$0x16420];
	_ =	sdelay $0x4  }
0x148: {  	v1 =	vadd.s32 $0xFFFFEC40, v1  }
0x149: {  	vm14 =	vlt.u32 v1, $0x13C0  }
0x14a: {  	v1 =	vnsel vm14, $0x0, v1;
	_ =	sdelay $0x4  }
0x14b: {  	[tilespmem:v1+s23+$0x0] =	vst.idx.add.f32.msk vm14, v0  }
0x14c: {  	v1 =	vld [tilespmem:s13+$0x16430];
	_ =	sdelay $0x4  }
0x14d: {  	v1 =	vadd.s32 $0xFFFFEC40, v1  }
0x14e: {  	vm15 =	vlt.u32 v1, $0x13C0  }
0x14f: {  	p0 =	sne.s32 s12, $0x9E00;
	v1 =	vnsel vm15, $0x0, v1  }
.Ltmp3:
0x150: {  	_ = 	snop;
	(pc) =	sbr.rel @p0 .LBB2_8-.Ltmp3, $2  }
0x151: {  	_ =	sdelay $0x2  }
0x152: {  	s12 =	sadd.s32 $0x200, s12;
	[tilespmem:v1+s23+$0x0] =	vst.idx.add.f32.msk vm15, v0  }
0x153: {  	[hbm4b:s17+s7] =	stream.strided.scatter [tilespmem:s23], [sflag:$0x5], $0x1400, s9, s7, $0x38;
	[tilespmem:$0x1E000] =	vst v63  }
0x154: {  	_ =	swait.ge [sflag:s20], $0x1400  }
0x155: {  	s10 =	sadd.s32 $0x1, s10;
	[sflag:s20] =	ssyncset.done $0x0  }
0x156: {  	p0 =	sne.s32 s10, s19;
	[sflag:s20] =	ssyncadd.s32 $0xFFFFEC00  }
.Ltmp4:
0x157: {  	[bflag:$0x0] =	sbarrier.arrive $0xFFFF;
	(pc) =	sbr.rel @p0 .LBB2_1-.Ltmp4, $4  }
0x158: {  	[hbm:s18], [sflag:s8] =	dma.local [spmem:s11], $0x2780  }
0x159: {  	_ =	swait.ge [sflag:s20], $0x2780  }
0x15a: {  	[sflag:s20] =	ssyncset.done $0x0  }
0x15b: {  	[sflag:s20] =	ssyncadd.s32 $0xFFFFD880  }
0x15c: {  	_ =	sfence.sel $0x180000  }
0x15d: {  	[bflag:$0x0] =	sbarrier.arrive $0xFFFF  }
0x15e: {  	_ =	strace $0x90000047  }
0x15f: {  	s0 =	stileid.u32;
	[bflag:$0x2] =	sbarrier.arrive $0xFFFF  }
0x160: {  	p0 =	sne.s32 s0, $0x0;
	s0 =	rddreg [dreg:$0x4]  }
0x161: {  	s0 =	sadd.s32 @!p0 $0x100000, s0  }
0x162: {  	[sflag:s0] =	ssyncadd.tile.s32 @!p0 $0x1;
	_ =	shalt  }
.Lfunc_end2:
_tile_overlayer_lowered:
.L_overlay_start_2:
0x163: {  	(tag) =	ssettag $0x2  }
0x164: {  	s0 =	rddreg [dreg:$0x0];
	s2 =	stileid.u32  }
0x165: {  	s1 =	rddreg [dreg:$0x1];
	p0 =	sne.s32 s2, $0x0  }
0x166: {  	s3 =	rddreg [dreg:$0x2];
	[bflag:$0x3] =	sbarrier.arrive $0xFFFF;
	s2 =	simm.s32 @!p0 $0x1C05  }
0x167: {  	[timem:s3], [sflag:s2] =	dma.local @!p0 [hbm:s0], s1  }
0x168: {  	s0 =	simm.s32 @!p0 $0x5  }
0x169: {  	_ =	swait.ge @!p0 [sflag:s0], s1  }
0x16a: {  	s1 =	ssub.s32 @!p0 $0x0, s1;
	[sflag:s0] =	ssyncset.done @!p0 $0x0  }
0x16b: {  	[sflag:s0] =	ssyncadd.s32 @!p0 s1  }
0x16c: {  	[bflag:$0x3] =	sbarrier.arrive $0xFFFF  }
0x16d: {  	_ =	shalt  }

</sc_bundles>
